<compile_context>
chip_gen: v7x
topology: tpu7x:2x2x1
jax: 0.10.2.dev20260603
libtpu: 0.0.44.dev20260713+nightly
codegen_flags: <defaults>
</compile_context>

<pallas_src>
import functools

import jax
import jax.numpy as jnp
from jax import lax
from jax.experimental import pallas as pl
from jax.experimental.pallas import tpu as pltpu
from jax.experimental.pallas import tpu_sc as plsc

_LATENT = 256
_KCB = 8192
_N_RADIAL = 5
_EPS_MAG = 0.05
_MAX_LEVEL = float(_N_RADIAL - 1)

_M = 16 * 576
_M_BLK = 1024
_K_BLK = 8192

_NC, _NS, _L = 2, 16, 16
_NW = _NC * _NS
_BPW = _M // _NW
_CHUNK = 96
_NCHUNK = _BPW // _CHUNK


def _argmax_body(z_ref, cb_ref, col_ref, idx_ref, magv_ref, tok_ref,
                 zdir_s, mag_s, bv_s, bi_s):
    k = pl.program_id(1)
    nk = pl.num_programs(1)

    @pl.when(k == 0)
    def _prep():
        z = z_ref[...]
        mag = jnp.sqrt(jnp.sum(z * z, axis=1, keepdims=True))
        zdir_s[...] = z / jnp.clip(mag, 1e-8, None)
        mag_s[...] = mag

    sims = lax.dot_general(
        zdir_s[...], cb_ref[...], (((1,), (1,)), ((), ())),
        preferred_element_type=jnp.float32)
    nv = _K_BLK // 128
    pairs = [(sims[:, v * 128:(v + 1) * 128],
              jnp.full((_M_BLK, 128), jnp.float32(v))) for v in range(nv)]
    while len(pairs) > 1:
        nxt = []
        for i in range(0, len(pairs) - 1, 2):
            (av, ai), (bv, bi) = pairs[i], pairs[i + 1]
            take = bv > av
            nxt.append((jnp.maximum(av, bv), jnp.where(take, bi, ai)))
        if len(pairs) % 2:
            nxt.append(pairs[-1])
        pairs = nxt
    cvmax, cvarg = pairs[0]
    bmax = jnp.max(cvmax, axis=1, keepdims=True)
    key2 = jnp.where(cvmax == bmax, cvarg * jnp.float32(128.0) + col_ref[...],
                     jnp.float32(4e6))
    bidx = jnp.min(key2, axis=1, keepdims=True)

    @pl.when(k == 0)
    def _init():
        bv_s[...] = bmax
        bi_s[...] = bidx

    @pl.when(k > 0)
    def _update():
        bv = bv_s[...]
        take = bmax > bv
        bv_s[...] = jnp.where(take, bmax, bv)
        bi_s[...] = jnp.where(take, bidx, bi_s[...])

    @pl.when(k == nk - 1)
    def _finish():
        mag = mag_s[...]
        bounded = jnp.tanh(mag / (_MAX_LEVEL * 0.5 + 1e-3)) * _MAX_LEVEL
        q = jnp.clip(jnp.round(bounded), 0.0, _MAX_LEVEL)
        mag_idx = q.astype(jnp.int32)
        mag_value = _EPS_MAG + (1.0 - _EPS_MAG) * (q / _MAX_LEVEL)
        ai = bi_s[...].astype(jnp.int32)
        idx_ref[0, 0, :] = ai[:, 0]
        magv_ref[0, 0, :] = mag_value[:, 0]
        tok_ref[0, 0, :] = (ai * _N_RADIAL + mag_idx)[:, 0]


def _tc_argmax(z_flat, cb):
    m_b = _M // _M_BLK
    k_b = _KCB // _K_BLK
    out3 = jax.ShapeDtypeStruct((m_b, 1, _M_BLK), jnp.int32)
    col = jnp.arange(128, dtype=jnp.float32).reshape(1, 128)
    return pl.pallas_call(
        _argmax_body,
        grid=(m_b, k_b),
        in_specs=[
            pl.BlockSpec((_M_BLK, _LATENT), lambda m, k: (m, 0)),
            pl.BlockSpec((_K_BLK, _LATENT), lambda m, k: (k, 0)),
            pl.BlockSpec((1, 128), lambda m, k: (0, 0)),
        ],
        out_specs=[
            pl.BlockSpec((1, 1, _M_BLK), lambda m, k: (m, 0, 0)),
            pl.BlockSpec((1, 1, _M_BLK), lambda m, k: (m, 0, 0)),
            pl.BlockSpec((1, 1, _M_BLK), lambda m, k: (m, 0, 0)),
        ],
        out_shape=[
            out3,
            jax.ShapeDtypeStruct((m_b, 1, _M_BLK), jnp.float32),
            out3,
        ],
        scratch_shapes=[
            pltpu.VMEM((_M_BLK, _LATENT), jnp.float32),
            pltpu.VMEM((_M_BLK, 1), jnp.float32),
            pltpu.VMEM((_M_BLK, 1), jnp.float32),
            pltpu.VMEM((_M_BLK, 1), jnp.float32),
        ],
    )(z_flat, cb, col)


def _sc_body(cb_hbm, idx_hbm, mag_hbm, out_hbm, idx_v, mag_v, rows_v, sem):
    wid = lax.axis_index("s") * _NC + lax.axis_index("c")
    base = wid * _BPW
    for j in range(_NCHUNK):
        pltpu.sync_copy(idx_hbm.at[pl.ds(base + j * _CHUNK, _CHUNK)],
                        idx_v.at[j])
    pltpu.sync_copy(mag_hbm.at[pl.ds(base, _BPW)], mag_v)
    descs = [
        pltpu.async_copy(cb_hbm.at[idx_v.at[j]],
                         rows_v.at[pl.ds(j * _CHUNK, _CHUNK)], sem)
        for j in range(_NCHUNK)
    ]
    for d in descs:
        d.wait()

    def row_body(r, carry):
        m16 = mag_v[pl.ds((r // _L) * _L, _L)]
        s = lax.gather(
            m16, jnp.full((_L, 1), r % _L, jnp.int32),
            lax.GatherDimensionNumbers(offset_dims=(), collapsed_slice_dims=(0,),
                                       start_index_map=(0,)),
            (1,), mode=lax.GatherScatterMode.PROMISE_IN_BOUNDS)
        for c in range(_LATENT // _L):
            sl = (r, pl.ds(c * _L, _L))
            rows_v[sl] = rows_v[sl] * s
        return carry

    lax.fori_loop(0, _BPW, row_body, 0)
    pltpu.sync_copy(rows_v, out_hbm.at[pl.ds(base, _BPW)])


@functools.cache
def _sc_gather_scale():
    return pl.kernel(
        _sc_body,
        out_type=jax.ShapeDtypeStruct((_M, _LATENT), jnp.float32),
        mesh=plsc.VectorSubcoreMesh(core_axis_name="c", subcore_axis_name="s",
                                    num_cores=_NC, num_subcores=_NS),
        scratch_types=[
            pltpu.VMEM((_NCHUNK, _CHUNK), jnp.int32),
            pltpu.VMEM((_BPW,), jnp.float32),
            pltpu.VMEM((_BPW, _LATENT), jnp.float32),
            pltpu.SemaphoreType.DMA,
        ],
    )


def kernel(z, angular_codebook):
    z = z.astype(jnp.float32)
    b, s, d = z.shape
    z_flat = z.reshape(-1, d)
    idx3, magv3, tok3 = _tc_argmax(z_flat, angular_codebook)
    ang_idx = idx3.reshape(-1)
    mag_value = magv3.reshape(-1)
    tokens = tok3.reshape(b, s)
    z_q = _sc_gather_scale()(angular_codebook, ang_idx, mag_value)
    return z_q.reshape(b, s, d), tokens

# --- scband reference (transcript-rebuilt; emitter-appended) ---
"""Pipeline reference for scband-spherical-fsq-70635032150121 (READ-ONLY COPY).

The authoritative reference and input builder live on the scoring server;
editing this copy changes nothing except your own understanding.
"""

import jax, jax.numpy as jnp
import numpy as np

LATENT_DIM = 256
N_ANGULAR = 8192
N_RADIAL = 5
EPS_MAG = 0.05


def setup_inputs(seed: int = 0) -> dict:
    key = jax.random.key(seed)
    k1, k2 = jax.random.split(key)
    z = jax.random.normal(k1, (16, 576, LATENT_DIM), dtype=jnp.float32)
    cb = jax.random.normal(k2, (N_ANGULAR, LATENT_DIM), dtype=jnp.float32)
    cb = cb / jnp.linalg.norm(cb, axis=-1, keepdims=True)
    return {"z": z, "angular_codebook": cb}


def reference(z, angular_codebook):
    # SphericalFSQ.forward_z in eval mode (drop_quant_p=0, no corruption)
    z = z.astype(jnp.float32)
    # decompose into magnitude + direction
    mag = jnp.linalg.norm(z, axis=-1)
    z_dir = z / jnp.clip(mag, 1e-8, None)[..., None]
    # quantize_direction: nearest angular codebook point via cosine similarity
    orig_shape = z_dir.shape[:-1]
    z_flat = z_dir.reshape(-1, LATENT_DIM)
    similarities = z_flat @ angular_codebook.T  # [N, K] compute-heavy matmul
    ang_idx = jnp.argmax(similarities, axis=-1)
    dir_q = jnp.take(angular_codebook, ang_idx, axis=0)
    # straight-through estimator
    dir_q = z_flat + jax.lax.stop_gradient(dir_q - z_flat)
    dir_q = dir_q.reshape(*orig_shape, LATENT_DIM)
    ang_idx = ang_idx.reshape(orig_shape)
    # quantize_magnitude
    max_level = float(N_RADIAL - 1)
    bounded = jnp.tanh(mag / (max_level * 0.5 + 1e-3)) * max_level
    # round with STE (drop_quant_p = 0 in eval)
    quantized = bounded + jax.lax.stop_gradient(jnp.round(bounded) - bounded)
    quantized = jnp.clip(quantized, 0.0, N_RADIAL - 1)
    mag_idx = jax.lax.stop_gradient(quantized).astype(jnp.int32)
    # _normalize_mag_level
    t = quantized / max(N_RADIAL - 1, 1)
    mag_value = EPS_MAG + (1.0 - EPS_MAG) * t
    # recombine
    z_q = dir_q * mag_value[..., None]
    tokens = ang_idx.astype(jnp.int32) * N_RADIAL + mag_idx
    return z_q, tokens

if __name__ == "__main__":
    import jax
    _d = setup_inputs()
    print(jax.jit(kernel)(*tuple(_d.values())))

</pallas_src>

<mosaic_0001>
#map = affine_map<(d0, d1) -> (0, 0)>
#map1 = affine_map<(d0, d1) -> (0)>
module attributes {stable_mosaic.version = 14 : i64} {
  func.func @_sc_body(%arg0: i32, %arg1: i32, %arg2: memref<8192x256xf32, #tpu.memory_space<hbm>>, %arg3: memref<9216xi32, #tpu.memory_space<hbm>>, %arg4: memref<9216xf32, #tpu.memory_space<hbm>>, %arg5: memref<9216x256xf32, #tpu.memory_space<hbm>>, %arg6: memref<3x96xi32, #tpu.memory_space<vmem>>, %arg7: memref<288xf32, #tpu.memory_space<vmem>>, %arg8: memref<288x256xf32, #tpu.memory_space<vmem>>, %arg9: memref<!tpu.dma_semaphore, #tpu.memory_space<semaphore_mem>>) attributes {dimension_semantics = [#tpu.dimension_semantics<core_parallel>, #tpu.dimension_semantics<subcore_parallel>], iteration_bounds = array<i64: 2, 16>, scalar_prefetch = 0 : i64, scratch_operands = 4 : i64, tpu.core_type = #tpu.core_type<sc_vector_subcore>, window_params = [{transform_indices = #map}, {transform_indices = #map1}, {transform_indices = #map1}, {transform_indices = #map}]} {
    %mul3A = arith.constant 2 : i32
    %mul3A_0 = arith.muli %arg1, %mul3A : i32
    %add3A = arith.addi %mul3A_0, %arg0 : i32
    %mul3A_1 = arith.constant 288 : i32
    %mul3A_2 = arith.muli %add3A, %mul3A_1 : i32
    %add3A_3 = arith.constant 0 : i32
    %add3A_4 = arith.addi %mul3A_2, %add3A_3 : i32
    %run_scoped3A = arith.constant 0 : i32
    "tpu.region"() ({
      %run_scoped3A_74 = tpu.sem_alloc : memref<!tpu.dma_semaphore, #tpu.memory_space<semaphore_mem>>
      %dma_start3A_75 = arith.constant 0 : i32
      %dma_start3A_76 = tpu.memref_slice %arg6[%run_scoped3A, %dma_start3A_75] : memref<3x96xi32, #tpu.memory_space<vmem>> -> memref<1x96xi32, #tpu.memory_space<vmem>>
      %dma_start3A_77 = tpu.memref_squeeze %dma_start3A_76 : memref<1x96xi32, #tpu.memory_space<vmem>> -> memref<96xi32, #tpu.memory_space<vmem>>
      %dma_start3A_78 = tpu.memref_slice %arg3[%add3A_4] : memref<9216xi32, #tpu.memory_space<hbm>> -> memref<96xi32, #tpu.memory_space<hbm>>
      %dma_start3A_79 = arith.constant 0 : i32
      %dma_start3A_80 = tpu.memref_slice %arg6[%run_scoped3A, %dma_start3A_79] : memref<3x96xi32, #tpu.memory_space<vmem>> -> memref<1x96xi32, #tpu.memory_space<vmem>>
      %dma_start3A_81 = tpu.memref_squeeze %dma_start3A_80 : memref<1x96xi32, #tpu.memory_space<vmem>> -> memref<96xi32, #tpu.memory_space<vmem>>
      %dma_start3A_82 = tpu.memref_slice %arg3[%add3A_4] : memref<9216xi32, #tpu.memory_space<hbm>> -> memref<96xi32, #tpu.memory_space<hbm>>
      tpu.enqueue_dma source(%dma_start3A_82 : memref<96xi32, #tpu.memory_space<hbm>>) target(%dma_start3A_81 : memref<96xi32, #tpu.memory_space<vmem>>) target_semaphore(%run_scoped3A_74 : memref<!tpu.dma_semaphore, #tpu.memory_space<semaphore_mem>>)
      %dma_wait3A_83 = arith.constant 0 : i32
      %dma_wait3A_84 = tpu.memref_slice %arg6[%run_scoped3A, %dma_wait3A_83] : memref<3x96xi32, #tpu.memory_space<vmem>> -> memref<1x96xi32, #tpu.memory_space<vmem>>
      %dma_wait3A_85 = tpu.memref_squeeze %dma_wait3A_84 : memref<1x96xi32, #tpu.memory_space<vmem>> -> memref<96xi32, #tpu.memory_space<vmem>>
      %dma_wait3A_86 = tpu.memref_slice %arg3[%add3A_4] : memref<9216xi32, #tpu.memory_space<hbm>> -> memref<96xi32, #tpu.memory_space<hbm>>
      %dma_wait3A_87 = arith.constant 0 : i32
      %dma_wait3A_88 = tpu.memref_slice %arg6[%run_scoped3A, %dma_wait3A_87] : memref<3x96xi32, #tpu.memory_space<vmem>> -> memref<1x96xi32, #tpu.memory_space<vmem>>
      %dma_wait3A_89 = tpu.memref_squeeze %dma_wait3A_88 : memref<1x96xi32, #tpu.memory_space<vmem>> -> memref<96xi32, #tpu.memory_space<vmem>>
      %dma_wait3A_90 = tpu.memref_slice %arg3[%add3A_4] : memref<9216xi32, #tpu.memory_space<hbm>> -> memref<96xi32, #tpu.memory_space<hbm>>
      tpu.wait_dma2 semaphore(%run_scoped3A_74 : memref<!tpu.dma_semaphore, #tpu.memory_space<semaphore_mem>>) src(%dma_wait3A_90 : memref<96xi32, #tpu.memory_space<hbm>>) dst(%dma_wait3A_89 : memref<96xi32, #tpu.memory_space<vmem>>)
      tpu.yield
    }) : () -> ()
    %add3A_5 = arith.constant 96 : i32
    %add3A_6 = arith.addi %mul3A_2, %add3A_5 : i32
    %run_scoped3A_7 = arith.constant 1 : i32
    "tpu.region"() ({
      %run_scoped3A_74 = tpu.sem_alloc : memref<!tpu.dma_semaphore, #tpu.memory_space<semaphore_mem>>
      %dma_start3A_75 = arith.constant 0 : i32
      %dma_start3A_76 = tpu.memref_slice %arg6[%run_scoped3A_7, %dma_start3A_75] : memref<3x96xi32, #tpu.memory_space<vmem>> -> memref<1x96xi32, #tpu.memory_space<vmem>>
      %dma_start3A_77 = tpu.memref_squeeze %dma_start3A_76 : memref<1x96xi32, #tpu.memory_space<vmem>> -> memref<96xi32, #tpu.memory_space<vmem>>
      %dma_start3A_78 = tpu.memref_slice %arg3[%add3A_6] : memref<9216xi32, #tpu.memory_space<hbm>> -> memref<96xi32, #tpu.memory_space<hbm>>
      %dma_start3A_79 = arith.constant 0 : i32
      %dma_start3A_80 = tpu.memref_slice %arg6[%run_scoped3A_7, %dma_start3A_79] : memref<3x96xi32, #tpu.memory_space<vmem>> -> memref<1x96xi32, #tpu.memory_space<vmem>>
      %dma_start3A_81 = tpu.memref_squeeze %dma_start3A_80 : memref<1x96xi32, #tpu.memory_space<vmem>> -> memref<96xi32, #tpu.memory_space<vmem>>
      %dma_start3A_82 = tpu.memref_slice %arg3[%add3A_6] : memref<9216xi32, #tpu.memory_space<hbm>> -> memref<96xi32, #tpu.memory_space<hbm>>
      tpu.enqueue_dma source(%dma_start3A_82 : memref<96xi32, #tpu.memory_space<hbm>>) target(%dma_start3A_81 : memref<96xi32, #tpu.memory_space<vmem>>) target_semaphore(%run_scoped3A_74 : memref<!tpu.dma_semaphore, #tpu.memory_space<semaphore_mem>>)
      %dma_wait3A_83 = arith.constant 0 : i32
      %dma_wait3A_84 = tpu.memref_slice %arg6[%run_scoped3A_7, %dma_wait3A_83] : memref<3x96xi32, #tpu.memory_space<vmem>> -> memref<1x96xi32, #tpu.memory_space<vmem>>
      %dma_wait3A_85 = tpu.memref_squeeze %dma_wait3A_84 : memref<1x96xi32, #tpu.memory_space<vmem>> -> memref<96xi32, #tpu.memory_space<vmem>>
      %dma_wait3A_86 = tpu.memref_slice %arg3[%add3A_6] : memref<9216xi32, #tpu.memory_space<hbm>> -> memref<96xi32, #tpu.memory_space<hbm>>
      %dma_wait3A_87 = arith.constant 0 : i32
      %dma_wait3A_88 = tpu.memref_slice %arg6[%run_scoped3A_7, %dma_wait3A_87] : memref<3x96xi32, #tpu.memory_space<vmem>> -> memref<1x96xi32, #tpu.memory_space<vmem>>
      %dma_wait3A_89 = tpu.memref_squeeze %dma_wait3A_88 : memref<1x96xi32, #tpu.memory_space<vmem>> -> memref<96xi32, #tpu.memory_space<vmem>>
      %dma_wait3A_90 = tpu.memref_slice %arg3[%add3A_6] : memref<9216xi32, #tpu.memory_space<hbm>> -> memref<96xi32, #tpu.memory_space<hbm>>
      tpu.wait_dma2 semaphore(%run_scoped3A_74 : memref<!tpu.dma_semaphore, #tpu.memory_space<semaphore_mem>>) src(%dma_wait3A_90 : memref<96xi32, #tpu.memory_space<hbm>>) dst(%dma_wait3A_89 : memref<96xi32, #tpu.memory_space<vmem>>)
      tpu.yield
    }) : () -> ()
    %add3A_8 = arith.constant 192 : i32
    %add3A_9 = arith.addi %mul3A_2, %add3A_8 : i32
    %run_scoped3A_10 = arith.constant 2 : i32
    "tpu.region"() ({
      %run_scoped3A_74 = tpu.sem_alloc : memref<!tpu.dma_semaphore, #tpu.memory_space<semaphore_mem>>
      %dma_start3A_75 = arith.constant 0 : i32
      %dma_start3A_76 = tpu.memref_slice %arg6[%run_scoped3A_10, %dma_start3A_75] : memref<3x96xi32, #tpu.memory_space<vmem>> -> memref<1x96xi32, #tpu.memory_space<vmem>>
      %dma_start3A_77 = tpu.memref_squeeze %dma_start3A_76 : memref<1x96xi32, #tpu.memory_space<vmem>> -> memref<96xi32, #tpu.memory_space<vmem>>
      %dma_start3A_78 = tpu.memref_slice %arg3[%add3A_9] : memref<9216xi32, #tpu.memory_space<hbm>> -> memref<96xi32, #tpu.memory_space<hbm>>
      %dma_start3A_79 = arith.constant 0 : i32
      %dma_start3A_80 = tpu.memref_slice %arg6[%run_scoped3A_10, %dma_start3A_79] : memref<3x96xi32, #tpu.memory_space<vmem>> -> memref<1x96xi32, #tpu.memory_space<vmem>>
      %dma_start3A_81 = tpu.memref_squeeze %dma_start3A_80 : memref<1x96xi32, #tpu.memory_space<vmem>> -> memref<96xi32, #tpu.memory_space<vmem>>
      %dma_start3A_82 = tpu.memref_slice %arg3[%add3A_9] : memref<9216xi32, #tpu.memory_space<hbm>> -> memref<96xi32, #tpu.memory_space<hbm>>
      tpu.enqueue_dma source(%dma_start3A_82 : memref<96xi32, #tpu.memory_space<hbm>>) target(%dma_start3A_81 : memref<96xi32, #tpu.memory_space<vmem>>) target_semaphore(%run_scoped3A_74 : memref<!tpu.dma_semaphore, #tpu.memory_space<semaphore_mem>>)
      %dma_wait3A_83 = arith.constant 0 : i32
      %dma_wait3A_84 = tpu.memref_slice %arg6[%run_scoped3A_10, %dma_wait3A_83] : memref<3x96xi32, #tpu.memory_space<vmem>> -> memref<1x96xi32, #tpu.memory_space<vmem>>
      %dma_wait3A_85 = tpu.memref_squeeze %dma_wait3A_84 : memref<1x96xi32, #tpu.memory_space<vmem>> -> memref<96xi32, #tpu.memory_space<vmem>>
      %dma_wait3A_86 = tpu.memref_slice %arg3[%add3A_9] : memref<9216xi32, #tpu.memory_space<hbm>> -> memref<96xi32, #tpu.memory_space<hbm>>
      %dma_wait3A_87 = arith.constant 0 : i32
      %dma_wait3A_88 = tpu.memref_slice %arg6[%run_scoped3A_10, %dma_wait3A_87] : memref<3x96xi32, #tpu.memory_space<vmem>> -> memref<1x96xi32, #tpu.memory_space<vmem>>
      %dma_wait3A_89 = tpu.memref_squeeze %dma_wait3A_88 : memref<1x96xi32, #tpu.memory_space<vmem>> -> memref<96xi32, #tpu.memory_space<vmem>>
      %dma_wait3A_90 = tpu.memref_slice %arg3[%add3A_9] : memref<9216xi32, #tpu.memory_space<hbm>> -> memref<96xi32, #tpu.memory_space<hbm>>
      tpu.wait_dma2 semaphore(%run_scoped3A_74 : memref<!tpu.dma_semaphore, #tpu.memory_space<semaphore_mem>>) src(%dma_wait3A_90 : memref<96xi32, #tpu.memory_space<hbm>>) dst(%dma_wait3A_89 : memref<96xi32, #tpu.memory_space<vmem>>)
      tpu.yield
    }) : () -> ()
    "tpu.region"() ({
      %run_scoped3A_74 = tpu.sem_alloc : memref<!tpu.dma_semaphore, #tpu.memory_space<semaphore_mem>>
      %dma_start3A_75 = tpu.memref_slice %arg4[%mul3A_2] : memref<9216xf32, #tpu.memory_space<hbm>> -> memref<288xf32, #tpu.memory_space<hbm>>
      %dma_start3A_76 = tpu.memref_slice %arg4[%mul3A_2] : memref<9216xf32, #tpu.memory_space<hbm>> -> memref<288xf32, #tpu.memory_space<hbm>>
      tpu.enqueue_dma source(%dma_start3A_76 : memref<288xf32, #tpu.memory_space<hbm>>) target(%arg7 : memref<288xf32, #tpu.memory_space<vmem>>) target_semaphore(%run_scoped3A_74 : memref<!tpu.dma_semaphore, #tpu.memory_space<semaphore_mem>>)
      %dma_wait3A_77 = tpu.memref_slice %arg4[%mul3A_2] : memref<9216xf32, #tpu.memory_space<hbm>> -> memref<288xf32, #tpu.memory_space<hbm>>
      %dma_wait3A_78 = tpu.memref_slice %arg4[%mul3A_2] : memref<9216xf32, #tpu.memory_space<hbm>> -> memref<288xf32, #tpu.memory_space<hbm>>
      tpu.wait_dma2 semaphore(%run_scoped3A_74 : memref<!tpu.dma_semaphore, #tpu.memory_space<semaphore_mem>>) src(%dma_wait3A_78 : memref<288xf32, #tpu.memory_space<hbm>>) dst(%arg7 : memref<288xf32, #tpu.memory_space<vmem>>)
      tpu.yield
    }) : () -> ()
    %dma_start3A = arith.constant 0 : i32
    %dma_start3A_11 = arith.constant 0 : i32
    %dma_start3A_12 = arith.constant 0 : i32
    %dma_start3A_13 = tpu.memref_slice %arg8[%dma_start3A_11, %dma_start3A_12] : memref<288x256xf32, #tpu.memory_space<vmem>> -> memref<96x256xf32, #tpu.memory_space<vmem>>
    %dma_start3A_14 = arith.constant 0 : i32
    %dma_start3A_15 = tpu.memref_slice %arg6[%dma_start3A, %dma_start3A_14] : memref<3x96xi32, #tpu.memory_space<vmem>> -> memref<1x96xi32, #tpu.memory_space<vmem>>
    %dma_start3A_16 = tpu.memref_squeeze %dma_start3A_15 : memref<1x96xi32, #tpu.memory_space<vmem>> -> memref<96xi32, #tpu.memory_space<vmem>>
    %dma_start3A_17 = arith.constant 0 : i32
    %dma_start3A_18 = arith.constant 0 : i32
    %dma_start3A_19 = tpu.memref_slice %arg2[%dma_start3A_17, %dma_start3A_18] : memref<8192x256xf32, #tpu.memory_space<hbm>> -> memref<8192x256xf32, #tpu.memory_space<hbm>>
    tpu.enqueue_indirect_dma source(%dma_start3A_19 : memref<8192x256xf32, #tpu.memory_space<hbm>>) target(%dma_start3A_13 : memref<96x256xf32, #tpu.memory_space<vmem>>) offsets(%dma_start3A_16 : memref<96xi32, #tpu.memory_space<vmem>>) semaphore(%arg9 : memref<!tpu.dma_semaphore, #tpu.memory_space<semaphore_mem>>)
    %dma_start3A_20 = arith.constant 1 : i32
    %dma_start3A_21 = arith.constant 96 : i32
    %dma_start3A_22 = arith.constant 0 : i32
    %dma_start3A_23 = tpu.memref_slice %arg8[%dma_start3A_21, %dma_start3A_22] : memref<288x256xf32, #tpu.memory_space<vmem>> -> memref<96x256xf32, #tpu.memory_space<vmem>>
    %dma_start3A_24 = arith.constant 0 : i32
    %dma_start3A_25 = tpu.memref_slice %arg6[%dma_start3A_20, %dma_start3A_24] : memref<3x96xi32, #tpu.memory_space<vmem>> -> memref<1x96xi32, #tpu.memory_space<vmem>>
    %dma_start3A_26 = tpu.memref_squeeze %dma_start3A_25 : memref<1x96xi32, #tpu.memory_space<vmem>> -> memref<96xi32, #tpu.memory_space<vmem>>
    %dma_start3A_27 = arith.constant 0 : i32
    %dma_start3A_28 = arith.constant 0 : i32
    %dma_start3A_29 = tpu.memref_slice %arg2[%dma_start3A_27, %dma_start3A_28] : memref<8192x256xf32, #tpu.memory_space<hbm>> -> memref<8192x256xf32, #tpu.memory_space<hbm>>
    tpu.enqueue_indirect_dma source(%dma_start3A_29 : memref<8192x256xf32, #tpu.memory_space<hbm>>) target(%dma_start3A_23 : memref<96x256xf32, #tpu.memory_space<vmem>>) offsets(%dma_start3A_26 : memref<96xi32, #tpu.memory_space<vmem>>) semaphore(%arg9 : memref<!tpu.dma_semaphore, #tpu.memory_space<semaphore_mem>>)
    %dma_start3A_30 = arith.constant 2 : i32
    %dma_start3A_31 = arith.constant 192 : i32
    %dma_start3A_32 = arith.constant 0 : i32
    %dma_start3A_33 = tpu.memref_slice %arg8[%dma_start3A_31, %dma_start3A_32] : memref<288x256xf32, #tpu.memory_space<vmem>> -> memref<96x256xf32, #tpu.memory_space<vmem>>
    %dma_start3A_34 = arith.constant 0 : i32
    %dma_start3A_35 = tpu.memref_slice %arg6[%dma_start3A_30, %dma_start3A_34] : memref<3x96xi32, #tpu.memory_space<vmem>> -> memref<1x96xi32, #tpu.memory_space<vmem>>
    %dma_start3A_36 = tpu.memref_squeeze %dma_start3A_35 : memref<1x96xi32, #tpu.memory_space<vmem>> -> memref<96xi32, #tpu.memory_space<vmem>>
    %dma_start3A_37 = arith.constant 0 : i32
    %dma_start3A_38 = arith.constant 0 : i32
    %dma_start3A_39 = tpu.memref_slice %arg2[%dma_start3A_37, %dma_start3A_38] : memref<8192x256xf32, #tpu.memory_space<hbm>> -> memref<8192x256xf32, #tpu.memory_space<hbm>>
    tpu.enqueue_indirect_dma source(%dma_start3A_39 : memref<8192x256xf32, #tpu.memory_space<hbm>>) target(%dma_start3A_33 : memref<96x256xf32, #tpu.memory_space<vmem>>) offsets(%dma_start3A_36 : memref<96xi32, #tpu.memory_space<vmem>>) semaphore(%arg9 : memref<!tpu.dma_semaphore, #tpu.memory_space<semaphore_mem>>)
    %dma_wait3A = arith.constant 0 : i32
    %dma_wait3A_40 = arith.constant 0 : i32
    %dma_wait3A_41 = arith.constant 0 : i32
    %dma_wait3A_42 = tpu.memref_slice %arg8[%dma_wait3A_40, %dma_wait3A_41] : memref<288x256xf32, #tpu.memory_space<vmem>> -> memref<96x256xf32, #tpu.memory_space<vmem>>
    %dma_wait3A_43 = arith.constant 0 : i32
    %dma_wait3A_44 = tpu.memref_slice %arg6[%dma_wait3A, %dma_wait3A_43] : memref<3x96xi32, #tpu.memory_space<vmem>> -> memref<1x96xi32, #tpu.memory_space<vmem>>
    %dma_wait3A_45 = tpu.memref_squeeze %dma_wait3A_44 : memref<1x96xi32, #tpu.memory_space<vmem>> -> memref<96xi32, #tpu.memory_space<vmem>>
    %dma_wait3A_46 = arith.constant 0 : i32
    %dma_wait3A_47 = arith.constant 0 : i32
    %dma_wait3A_48 = tpu.memref_slice %arg2[%dma_wait3A_46, %dma_wait3A_47] : memref<8192x256xf32, #tpu.memory_space<hbm>> -> memref<8192x256xf32, #tpu.memory_space<hbm>>
    tpu.wait_indirect_dma semaphore(%arg9 : memref<!tpu.dma_semaphore, #tpu.memory_space<semaphore_mem>>) src(%dma_wait3A_48 : memref<8192x256xf32, #tpu.memory_space<hbm>>) dst(%dma_wait3A_42 : memref<96x256xf32, #tpu.memory_space<vmem>>)
    %dma_wait3A_49 = arith.constant 1 : i32
    %dma_wait3A_50 = arith.constant 96 : i32
    %dma_wait3A_51 = arith.constant 0 : i32
    %dma_wait3A_52 = tpu.memref_slice %arg8[%dma_wait3A_50, %dma_wait3A_51] : memref<288x256xf32, #tpu.memory_space<vmem>> -> memref<96x256xf32, #tpu.memory_space<vmem>>
    %dma_wait3A_53 = arith.constant 0 : i32
    %dma_wait3A_54 = tpu.memref_slice %arg6[%dma_wait3A_49, %dma_wait3A_53] : memref<3x96xi32, #tpu.memory_space<vmem>> -> memref<1x96xi32, #tpu.memory_space<vmem>>
    %dma_wait3A_55 = tpu.memref_squeeze %dma_wait3A_54 : memref<1x96xi32, #tpu.memory_space<vmem>> -> memref<96xi32, #tpu.memory_space<vmem>>
    %dma_wait3A_56 = arith.constant 0 : i32
    %dma_wait3A_57 = arith.constant 0 : i32
    %dma_wait3A_58 = tpu.memref_slice %arg2[%dma_wait3A_56, %dma_wait3A_57] : memref<8192x256xf32, #tpu.memory_space<hbm>> -> memref<8192x256xf32, #tpu.memory_space<hbm>>
    tpu.wait_indirect_dma semaphore(%arg9 : memref<!tpu.dma_semaphore, #tpu.memory_space<semaphore_mem>>) src(%dma_wait3A_58 : memref<8192x256xf32, #tpu.memory_space<hbm>>) dst(%dma_wait3A_52 : memref<96x256xf32, #tpu.memory_space<vmem>>)
    %dma_wait3A_59 = arith.constant 2 : i32
    %dma_wait3A_60 = arith.constant 192 : i32
    %dma_wait3A_61 = arith.constant 0 : i32
    %dma_wait3A_62 = tpu.memref_slice %arg8[%dma_wait3A_60, %dma_wait3A_61] : memref<288x256xf32, #tpu.memory_space<vmem>> -> memref<96x256xf32, #tpu.memory_space<vmem>>
    %dma_wait3A_63 = arith.constant 0 : i32
    %dma_wait3A_64 = tpu.memref_slice %arg6[%dma_wait3A_59, %dma_wait3A_63] : memref<3x96xi32, #tpu.memory_space<vmem>> -> memref<1x96xi32, #tpu.memory_space<vmem>>
    %dma_wait3A_65 = tpu.memref_squeeze %dma_wait3A_64 : memref<1x96xi32, #tpu.memory_space<vmem>> -> memref<96xi32, #tpu.memory_space<vmem>>
    %dma_wait3A_66 = arith.constant 0 : i32
    %dma_wait3A_67 = arith.constant 0 : i32
    %dma_wait3A_68 = tpu.memref_slice %arg2[%dma_wait3A_66, %dma_wait3A_67] : memref<8192x256xf32, #tpu.memory_space<hbm>> -> memref<8192x256xf32, #tpu.memory_space<hbm>>
    tpu.wait_indirect_dma semaphore(%arg9 : memref<!tpu.dma_semaphore, #tpu.memory_space<semaphore_mem>>) src(%dma_wait3A_68 : memref<8192x256xf32, #tpu.memory_space<hbm>>) dst(%dma_wait3A_62 : memref<96x256xf32, #tpu.memory_space<vmem>>)
    %scan3A = arith.constant 0 : i32
    %scan3A_69 = arith.constant 0 : i32
    %scan3A_70 = arith.constant 288 : i32
    %scan3A_71 = arith.addi %scan3A_69, %scan3A_70 : i32
    %scan3A_72 = arith.constant 1 : i32
    scf.for %scan3A_74 = %scan3A_69 to %scan3A_71 step %scan3A_72  : i32 {
      %jit3A = arith.constant 16 : i32
      %div3A = arith.divsi %scan3A_74, %jit3A : i32
      %sign3A = arith.constant 0 : i32
      %sign3A_75 = arith.cmpi sgt, %scan3A_74, %sign3A : i32
      %sign3A_76 = arith.extui %sign3A_75 : i1 to i32
      %sign3A_77 = arith.constant 0 : i32
      %sign3A_78 = arith.cmpi slt, %scan3A_74, %sign3A_77 : i32
      %sign3A_79 = arith.extui %sign3A_78 : i1 to i32
      %sign3A_80 = arith.subi %sign3A_76, %sign3A_79 : i32
      %sign3A_81 = arith.constant 0 : i32
      %sign3A_82 = arith.cmpi sgt, %jit3A, %sign3A_81 : i32
      %sign3A_83 = arith.extui %sign3A_82 : i1 to i32
      %sign3A_84 = arith.constant 0 : i32
      %sign3A_85 = arith.cmpi slt, %jit3A, %sign3A_84 : i32
      %sign3A_86 = arith.extui %sign3A_85 : i1 to i32
      %sign3A_87 = arith.subi %sign3A_83, %sign3A_86 : i32
      %ne3A = arith.cmpi ne, %sign3A_80, %sign3A_87 : i32
      %rem3A = arith.remsi %scan3A_74, %jit3A : i32
      %ne3A_88 = arith.constant 0 : i32
      %ne3A_89 = arith.cmpi ne, %rem3A, %ne3A_88 : i32
      %and3A = arith.andi %ne3A, %ne3A_89 : i1
      %sub3A = arith.constant 1 : i32
      %sub3A_90 = arith.subi %div3A, %sub3A : i32
      %select_n3A = arith.select %and3A, %sub3A_90, %div3A : i32
      %mul3A_91 = arith.constant 16 : i32
      %mul3A_92 = arith.muli %select_n3A, %mul3A_91 : i32
      %get3A = arith.index_cast %mul3A_92 : i32 to index
      %get3A_93 = tpu.vector_load %arg7[%get3A] {strides = array<i32>} : memref<288xf32, #tpu.memory_space<vmem>>, vector<16xf32>,
      %get3A_94 = vector.shape_cast %get3A_93 : vector<16xf32> to vector<16xf32>
      %jit3A_95 = arith.constant 16 : i32
      %eq3A = arith.constant 0 : i32
      %eq3A_96 = arith.cmpi eq, %jit3A_95, %eq3A : i32
      %jit3A_97 = arith.constant 1 : i32
      %select_n3A_98 = arith.select %eq3A_96, %jit3A_97, %jit3A_95 : i32
      %rem3A_99 = arith.remsi %scan3A_74, %select_n3A_98 : i32
      %ne3A_100 = arith.constant 0 : i32
      %ne3A_101 = arith.cmpi ne, %rem3A_99, %ne3A_100 : i32
      %lt3A = arith.constant 0 : i32
      %lt3A_102 = arith.cmpi slt, %rem3A_99, %lt3A : i32
      %lt3A_103 = arith.constant 0 : i32
      %lt3A_104 = arith.cmpi slt, %select_n3A_98, %lt3A_103 : i32
      %ne3A_105 = arith.xori %lt3A_102, %lt3A_104 : i1
      %and3A_106 = arith.andi %ne3A_105, %ne3A_101 : i1
      %add3A_107 = arith.addi %rem3A_99, %select_n3A_98 : i32
      %select_n3A_108 = arith.select %and3A_106, %add3A_107, %rem3A_99 : i32
      %broadcast_in_dim3A = vector.broadcast %select_n3A_108 : i32 to vector<16x1xi32>
      %gather3A = vector.shape_cast %broadcast_in_dim3A : vector<16x1xi32> to vector<16xi32>
      %gather3A_109 = tpu.dynamic_gather %get3A_94[%gather3A] in [0] : vector<16xf32>, vector<16xi32> -> vector<16xf32>
      %get3A_110 = arith.index_cast %scan3A_74 : i32 to index
      %get3A_111 = arith.constant 0 : index
      %get3A_112 = tpu.vector_load %arg8[%get3A_110, %get3A_111] {strides = array<i32>} : memref<288x256xf32, #tpu.memory_space<vmem>>, vector<1x16xf32>,
      %get3A_113 = vector.shape_cast %get3A_112 : vector<1x16xf32> to vector<16xf32>
      %mul3A_114 = arith.mulf %get3A_113, %gather3A_109 : vector<16xf32>
      %swap3A = arith.index_cast %scan3A_74 : i32 to index
      %swap3A_115 = arith.constant 0 : index
      %swap3A_116 = tpu.vector_load %arg8[%swap3A, %swap3A_115] {strides = array<i32>} : memref<288x256xf32, #tpu.memory_space<vmem>>, vector<1x16xf32>,
      %swap3A_117 = vector.shape_cast %swap3A_116 : vector<1x16xf32> to vector<16xf32>
      %swap3A_118 = vector.shape_cast %mul3A_114 : vector<16xf32> to vector<1x16xf32>
      tpu.vector_store %arg8[%swap3A, %swap3A_115], %swap3A_118 {strides = array<i32>} : memref<288x256xf32, #tpu.memory_space<vmem>>, vector<1x16xf32>,
      %get3A_119 = arith.index_cast %scan3A_74 : i32 to index
      %get3A_120 = arith.constant 16 : index
      %get3A_121 = tpu.vector_load %arg8[%get3A_119, %get3A_120] {strides = array<i32>} : memref<288x256xf32, #tpu.memory_space<vmem>>, vector<1x16xf32>,
      %get3A_122 = vector.shape_cast %get3A_121 : vector<1x16xf32> to vector<16xf32>
      %mul3A_123 = arith.mulf %get3A_122, %gather3A_109 : vector<16xf32>
      %swap3A_124 = arith.index_cast %scan3A_74 : i32 to index
      %swap3A_125 = arith.constant 16 : index
      %swap3A_126 = tpu.vector_load %arg8[%swap3A_124, %swap3A_125] {strides = array<i32>} : memref<288x256xf32, #tpu.memory_space<vmem>>, vector<1x16xf32>,
      %swap3A_127 = vector.shape_cast %swap3A_126 : vector<1x16xf32> to vector<16xf32>
      %swap3A_128 = vector.shape_cast %mul3A_123 : vector<16xf32> to vector<1x16xf32>
      tpu.vector_store %arg8[%swap3A_124, %swap3A_125], %swap3A_128 {strides = array<i32>} : memref<288x256xf32, #tpu.memory_space<vmem>>, vector<1x16xf32>,
      %get3A_129 = arith.index_cast %scan3A_74 : i32 to index
      %get3A_130 = arith.constant 32 : index
      %get3A_131 = tpu.vector_load %arg8[%get3A_129, %get3A_130] {strides = array<i32>} : memref<288x256xf32, #tpu.memory_space<vmem>>, vector<1x16xf32>,
      %get3A_132 = vector.shape_cast %get3A_131 : vector<1x16xf32> to vector<16xf32>
      %mul3A_133 = arith.mulf %get3A_132, %gather3A_109 : vector<16xf32>
      %swap3A_134 = arith.index_cast %scan3A_74 : i32 to index
      %swap3A_135 = arith.constant 32 : index
      %swap3A_136 = tpu.vector_load %arg8[%swap3A_134, %swap3A_135] {strides = array<i32>} : memref<288x256xf32, #tpu.memory_space<vmem>>, vector<1x16xf32>,
      %swap3A_137 = vector.shape_cast %swap3A_136 : vector<1x16xf32> to vector<16xf32>
      %swap3A_138 = vector.shape_cast %mul3A_133 : vector<16xf32> to vector<1x16xf32>
      tpu.vector_store %arg8[%swap3A_134, %swap3A_135], %swap3A_138 {strides = array<i32>} : memref<288x256xf32, #tpu.memory_space<vmem>>, vector<1x16xf32>,
      %get3A_139 = arith.index_cast %scan3A_74 : i32 to index
      %get3A_140 = arith.constant 48 : index
      %get3A_141 = tpu.vector_load %arg8[%get3A_139, %get3A_140] {strides = array<i32>} : memref<288x256xf32, #tpu.memory_space<vmem>>, vector<1x16xf32>,
      %get3A_142 = vector.shape_cast %get3A_141 : vector<1x16xf32> to vector<16xf32>
      %mul3A_143 = arith.mulf %get3A_142, %gather3A_109 : vector<16xf32>
      %swap3A_144 = arith.index_cast %scan3A_74 : i32 to index
      %swap3A_145 = arith.constant 48 : index
      %swap3A_146 = tpu.vector_load %arg8[%swap3A_144, %swap3A_145] {strides = array<i32>} : memref<288x256xf32, #tpu.memory_space<vmem>>, vector<1x16xf32>,
      %swap3A_147 = vector.shape_cast %swap3A_146 : vector<1x16xf32> to vector<16xf32>
      %swap3A_148 = vector.shape_cast %mul3A_143 : vector<16xf32> to vector<1x16xf32>
      tpu.vector_store %arg8[%swap3A_144, %swap3A_145], %swap3A_148 {strides = array<i32>} : memref<288x256xf32, #tpu.memory_space<vmem>>, vector<1x16xf32>,
      %get3A_149 = arith.index_cast %scan3A_74 : i32 to index
      %get3A_150 = arith.constant 64 : index
      %get3A_151 = tpu.vector_load %arg8[%get3A_149, %get3A_150] {strides = array<i32>} : memref<288x256xf32, #tpu.memory_space<vmem>>, vector<1x16xf32>,
      %get3A_152 = vector.shape_cast %get3A_151 : vector<1x16xf32> to vector<16xf32>
      %mul3A_153 = arith.mulf %get3A_152, %gather3A_109 : vector<16xf32>
      %swap3A_154 = arith.index_cast %scan3A_74 : i32 to index
      %swap3A_155 = arith.constant 64 : index
      %swap3A_156 = tpu.vector_load %arg8[%swap3A_154, %swap3A_155] {strides = array<i32>} : memref<288x256xf32, #tpu.memory_space<vmem>>, vector<1x16xf32>,
      %swap3A_157 = vector.shape_cast %swap3A_156 : vector<1x16xf32> to vector<16xf32>
      %swap3A_158 = vector.shape_cast %mul3A_153 : vector<16xf32> to vector<1x16xf32>
      tpu.vector_store %arg8[%swap3A_154, %swap3A_155], %swap3A_158 {strides = array<i32>} : memref<288x256xf32, #tpu.memory_space<vmem>>, vector<1x16xf32>,
      %get3A_159 = arith.index_cast %scan3A_74 : i32 to index
      %get3A_160 = arith.constant 80 : index
      %get3A_161 = tpu.vector_load %arg8[%get3A_159, %get3A_160] {strides = array<i32>} : memref<288x256xf32, #tpu.memory_space<vmem>>, vector<1x16xf32>,
      %get3A_162 = vector.shape_cast %get3A_161 : vector<1x16xf32> to vector<16xf32>
      %mul3A_163 = arith.mulf %get3A_162, %gather3A_109 : vector<16xf32>
      %swap3A_164 = arith.index_cast %scan3A_74 : i32 to index
      %swap3A_165 = arith.constant 80 : index
      %swap3A_166 = tpu.vector_load %arg8[%swap3A_164, %swap3A_165] {strides = array<i32>} : memref<288x256xf32, #tpu.memory_space<vmem>>, vector<1x16xf32>,
      %swap3A_167 = vector.shape_cast %swap3A_166 : vector<1x16xf32> to vector<16xf32>
      %swap3A_168 = vector.shape_cast %mul3A_163 : vector<16xf32> to vector<1x16xf32>
      tpu.vector_store %arg8[%swap3A_164, %swap3A_165], %swap3A_168 {strides = array<i32>} : memref<288x256xf32, #tpu.memory_space<vmem>>, vector<1x16xf32>,
      %get3A_169 = arith.index_cast %scan3A_74 : i32 to index
      %get3A_170 = arith.constant 96 : index
      %get3A_171 = tpu.vector_load %arg8[%get3A_169, %get3A_170] {strides = array<i32>} : memref<288x256xf32, #tpu.memory_space<vmem>>, vector<1x16xf32>,
      %get3A_172 = vector.shape_cast %get3A_171 : vector<1x16xf32> to vector<16xf32>
      %mul3A_173 = arith.mulf %get3A_172, %gather3A_109 : vector<16xf32>
      %swap3A_174 = arith.index_cast %scan3A_74 : i32 to index
      %swap3A_175 = arith.constant 96 : index
      %swap3A_176 = tpu.vector_load %arg8[%swap3A_174, %swap3A_175] {strides = array<i32>} : memref<288x256xf32, #tpu.memory_space<vmem>>, vector<1x16xf32>,
      %swap3A_177 = vector.shape_cast %swap3A_176 : vector<1x16xf32> to vector<16xf32>
      %swap3A_178 = vector.shape_cast %mul3A_173 : vector<16xf32> to vector<1x16xf32>
      tpu.vector_store %arg8[%swap3A_174, %swap3A_175], %swap3A_178 {strides = array<i32>} : memref<288x256xf32, #tpu.memory_space<vmem>>, vector<1x16xf32>,
      %get3A_179 = arith.index_cast %scan3A_74 : i32 to index
      %get3A_180 = arith.constant 112 : index
      %get3A_181 = tpu.vector_load %arg8[%get3A_179, %get3A_180] {strides = array<i32>} : memref<288x256xf32, #tpu.memory_space<vmem>>, vector<1x16xf32>,
      %get3A_182 = vector.shape_cast %get3A_181 : vector<1x16xf32> to vector<16xf32>
      %mul3A_183 = arith.mulf %get3A_182, %gather3A_109 : vector<16xf32>
      %swap3A_184 = arith.index_cast %scan3A_74 : i32 to index
      %swap3A_185 = arith.constant 112 : index
      %swap3A_186 = tpu.vector_load %arg8[%swap3A_184, %swap3A_185] {strides = array<i32>} : memref<288x256xf32, #tpu.memory_space<vmem>>, vector<1x16xf32>,
      %swap3A_187 = vector.shape_cast %swap3A_186 : vector<1x16xf32> to vector<16xf32>
      %swap3A_188 = vector.shape_cast %mul3A_183 : vector<16xf32> to vector<1x16xf32>
      tpu.vector_store %arg8[%swap3A_184, %swap3A_185], %swap3A_188 {strides = array<i32>} : memref<288x256xf32, #tpu.memory_space<vmem>>, vector<1x16xf32>,
      %get3A_189 = arith.index_cast %scan3A_74 : i32 to index
      %get3A_190 = arith.constant 128 : index
      %get3A_191 = tpu.vector_load %arg8[%get3A_189, %get3A_190] {strides = array<i32>} : memref<288x256xf32, #tpu.memory_space<vmem>>, vector<1x16xf32>,
      %get3A_192 = vector.shape_cast %get3A_191 : vector<1x16xf32> to vector<16xf32>
      %mul3A_193 = arith.mulf %get3A_192, %gather3A_109 : vector<16xf32>
      %swap3A_194 = arith.index_cast %scan3A_74 : i32 to index
      %swap3A_195 = arith.constant 128 : index
      %swap3A_196 = tpu.vector_load %arg8[%swap3A_194, %swap3A_195] {strides = array<i32>} : memref<288x256xf32, #tpu.memory_space<vmem>>, vector<1x16xf32>,
      %swap3A_197 = vector.shape_cast %swap3A_196 : vector<1x16xf32> to vector<16xf32>
      %swap3A_198 = vector.shape_cast %mul3A_193 : vector<16xf32> to vector<1x16xf32>
      tpu.vector_store %arg8[%swap3A_194, %swap3A_195], %swap3A_198 {strides = array<i32>} : memref<288x256xf32, #tpu.memory_space<vmem>>, vector<1x16xf32>,
      %get3A_199 = arith.index_cast %scan3A_74 : i32 to index
      %get3A_200 = arith.constant 144 : index
      %get3A_201 = tpu.vector_load %arg8[%get3A_199, %get3A_200] {strides = array<i32>} : memref<288x256xf32, #tpu.memory_space<vmem>>, vector<1x16xf32>,
      %get3A_202 = vector.shape_cast %get3A_201 : vector<1x16xf32> to vector<16xf32>
      %mul3A_203 = arith.mulf %get3A_202, %gather3A_109 : vector<16xf32>
      %swap3A_204 = arith.index_cast %scan3A_74 : i32 to index
      %swap3A_205 = arith.constant 144 : index
      %swap3A_206 = tpu.vector_load %arg8[%swap3A_204, %swap3A_205] {strides = array<i32>} : memref<288x256xf32, #tpu.memory_space<vmem>>, vector<1x16xf32>,
      %swap3A_207 = vector.shape_cast %swap3A_206 : vector<1x16xf32> to vector<16xf32>
      %swap3A_208 = vector.shape_cast %mul3A_203 : vector<16xf32> to vector<1x16xf32>
      tpu.vector_store %arg8[%swap3A_204, %swap3A_205], %swap3A_208 {strides = array<i32>} : memref<288x256xf32, #tpu.memory_space<vmem>>, vector<1x16xf32>,
      %get3A_209 = arith.index_cast %scan3A_74 : i32 to index
      %get3A_210 = arith.constant 160 : index
      %get3A_211 = tpu.vector_load %arg8[%get3A_209, %get3A_210] {strides = array<i32>} : memref<288x256xf32, #tpu.memory_space<vmem>>, vector<1x16xf32>,
      %get3A_212 = vector.shape_cast %get3A_211 : vector<1x16xf32> to vector<16xf32>
      %mul3A_213 = arith.mulf %get3A_212, %gather3A_109 : vector<16xf32>
      %swap3A_214 = arith.index_cast %scan3A_74 : i32 to index
      %swap3A_215 = arith.constant 160 : index
      %swap3A_216 = tpu.vector_load %arg8[%swap3A_214, %swap3A_215] {strides = array<i32>} : memref<288x256xf32, #tpu.memory_space<vmem>>, vector<1x16xf32>,
      %swap3A_217 = vector.shape_cast %swap3A_216 : vector<1x16xf32> to vector<16xf32>
      %swap3A_218 = vector.shape_cast %mul3A_213 : vector<16xf32> to vector<1x16xf32>
      tpu.vector_store %arg8[%swap3A_214, %swap3A_215], %swap3A_218 {strides = array<i32>} : memref<288x256xf32, #tpu.memory_space<vmem>>, vector<1x16xf32>,
      %get3A_219 = arith.index_cast %scan3A_74 : i32 to index
      %get3A_220 = arith.constant 176 : index
      %get3A_221 = tpu.vector_load %arg8[%get3A_219, %get3A_220] {strides = array<i32>} : memref<288x256xf32, #tpu.memory_space<vmem>>, vector<1x16xf32>,
      %get3A_222 = vector.shape_cast %get3A_221 : vector<1x16xf32> to vector<16xf32>
      %mul3A_223 = arith.mulf %get3A_222, %gather3A_109 : vector<16xf32>
      %swap3A_224 = arith.index_cast %scan3A_74 : i32 to index
      %swap3A_225 = arith.constant 176 : index
      %swap3A_226 = tpu.vector_load %arg8[%swap3A_224, %swap3A_225] {strides = array<i32>} : memref<288x256xf32, #tpu.memory_space<vmem>>, vector<1x16xf32>,
      %swap3A_227 = vector.shape_cast %swap3A_226 : vector<1x16xf32> to vector<16xf32>
      %swap3A_228 = vector.shape_cast %mul3A_223 : vector<16xf32> to vector<1x16xf32>
      tpu.vector_store %arg8[%swap3A_224, %swap3A_225], %swap3A_228 {strides = array<i32>} : memref<288x256xf32, #tpu.memory_space<vmem>>, vector<1x16xf32>,
      %get3A_229 = arith.index_cast %scan3A_74 : i32 to index
      %get3A_230 = arith.constant 192 : index
      %get3A_231 = tpu.vector_load %arg8[%get3A_229, %get3A_230] {strides = array<i32>} : memref<288x256xf32, #tpu.memory_space<vmem>>, vector<1x16xf32>,
      %get3A_232 = vector.shape_cast %get3A_231 : vector<1x16xf32> to vector<16xf32>
      %mul3A_233 = arith.mulf %get3A_232, %gather3A_109 : vector<16xf32>
      %swap3A_234 = arith.index_cast %scan3A_74 : i32 to index
      %swap3A_235 = arith.constant 192 : index
      %swap3A_236 = tpu.vector_load %arg8[%swap3A_234, %swap3A_235] {strides = array<i32>} : memref<288x256xf32, #tpu.memory_space<vmem>>, vector<1x16xf32>,
      %swap3A_237 = vector.shape_cast %swap3A_236 : vector<1x16xf32> to vector<16xf32>
      %swap3A_238 = vector.shape_cast %mul3A_233 : vector<16xf32> to vector<1x16xf32>
      tpu.vector_store %arg8[%swap3A_234, %swap3A_235], %swap3A_238 {strides = array<i32>} : memref<288x256xf32, #tpu.memory_space<vmem>>, vector<1x16xf32>,
      %get3A_239 = arith.index_cast %scan3A_74 : i32 to index
      %get3A_240 = arith.constant 208 : index
      %get3A_241 = tpu.vector_load %arg8[%get3A_239, %get3A_240] {strides = array<i32>} : memref<288x256xf32, #tpu.memory_space<vmem>>, vector<1x16xf32>,
      %get3A_242 = vector.shape_cast %get3A_241 : vector<1x16xf32> to vector<16xf32>
      %mul3A_243 = arith.mulf %get3A_242, %gather3A_109 : vector<16xf32>
      %swap3A_244 = arith.index_cast %scan3A_74 : i32 to index
      %swap3A_245 = arith.constant 208 : index
      %swap3A_246 = tpu.vector_load %arg8[%swap3A_244, %swap3A_245] {strides = array<i32>} : memref<288x256xf32, #tpu.memory_space<vmem>>, vector<1x16xf32>,
      %swap3A_247 = vector.shape_cast %swap3A_246 : vector<1x16xf32> to vector<16xf32>
      %swap3A_248 = vector.shape_cast %mul3A_243 : vector<16xf32> to vector<1x16xf32>
      tpu.vector_store %arg8[%swap3A_244, %swap3A_245], %swap3A_248 {strides = array<i32>} : memref<288x256xf32, #tpu.memory_space<vmem>>, vector<1x16xf32>,
      %get3A_249 = arith.index_cast %scan3A_74 : i32 to index
      %get3A_250 = arith.constant 224 : index
      %get3A_251 = tpu.vector_load %arg8[%get3A_249, %get3A_250] {strides = array<i32>} : memref<288x256xf32, #tpu.memory_space<vmem>>, vector<1x16xf32>,
      %get3A_252 = vector.shape_cast %get3A_251 : vector<1x16xf32> to vector<16xf32>
      %mul3A_253 = arith.mulf %get3A_252, %gather3A_109 : vector<16xf32>
      %swap3A_254 = arith.index_cast %scan3A_74 : i32 to index
      %swap3A_255 = arith.constant 224 : index
      %swap3A_256 = tpu.vector_load %arg8[%swap3A_254, %swap3A_255] {strides = array<i32>} : memref<288x256xf32, #tpu.memory_space<vmem>>, vector<1x16xf32>,
      %swap3A_257 = vector.shape_cast %swap3A_256 : vector<1x16xf32> to vector<16xf32>
      %swap3A_258 = vector.shape_cast %mul3A_253 : vector<16xf32> to vector<1x16xf32>
      tpu.vector_store %arg8[%swap3A_254, %swap3A_255], %swap3A_258 {strides = array<i32>} : memref<288x256xf32, #tpu.memory_space<vmem>>, vector<1x16xf32>,
      %get3A_259 = arith.index_cast %scan3A_74 : i32 to index
      %get3A_260 = arith.constant 240 : index
      %get3A_261 = tpu.vector_load %arg8[%get3A_259, %get3A_260] {strides = array<i32>} : memref<288x256xf32, #tpu.memory_space<vmem>>, vector<1x16xf32>,
      %get3A_262 = vector.shape_cast %get3A_261 : vector<1x16xf32> to vector<16xf32>
      %mul3A_263 = arith.mulf %get3A_262, %gather3A_109 : vector<16xf32>
      %swap3A_264 = arith.index_cast %scan3A_74 : i32 to index
      %swap3A_265 = arith.constant 240 : index
      %swap3A_266 = tpu.vector_load %arg8[%swap3A_264, %swap3A_265] {strides = array<i32>} : memref<288x256xf32, #tpu.memory_space<vmem>>, vector<1x16xf32>,
      %swap3A_267 = vector.shape_cast %swap3A_266 : vector<1x16xf32> to vector<16xf32>
      %swap3A_268 = vector.shape_cast %mul3A_263 : vector<16xf32> to vector<1x16xf32>
      tpu.vector_store %arg8[%swap3A_264, %swap3A_265], %swap3A_268 {strides = array<i32>} : memref<288x256xf32, #tpu.memory_space<vmem>>, vector<1x16xf32>,
    }
    %scan3A_73 = arith.constant 288 : i32
    "tpu.region"() ({
      %run_scoped3A_74 = tpu.sem_alloc : memref<!tpu.dma_semaphore, #tpu.memory_space<semaphore_mem>>
      %dma_start3A_75 = arith.constant 0 : i32
      %dma_start3A_76 = tpu.memref_slice %arg5[%mul3A_2, %dma_start3A_75] : memref<9216x256xf32, #tpu.memory_space<hbm>> -> memref<288x256xf32, #tpu.memory_space<hbm>>
      %dma_start3A_77 = arith.constant 0 : i32
      %dma_start3A_78 = tpu.memref_slice %arg5[%mul3A_2, %dma_start3A_77] : memref<9216x256xf32, #tpu.memory_space<hbm>> -> memref<288x256xf32, #tpu.memory_space<hbm>>
      tpu.enqueue_dma source(%arg8 : memref<288x256xf32, #tpu.memory_space<vmem>>) target(%dma_start3A_78 : memref<288x256xf32, #tpu.memory_space<hbm>>) target_semaphore(%run_scoped3A_74 : memref<!tpu.dma_semaphore, #tpu.memory_space<semaphore_mem>>)
      %dma_wait3A_79 = arith.constant 0 : i32
      %dma_wait3A_80 = tpu.memref_slice %arg5[%mul3A_2, %dma_wait3A_79] : memref<9216x256xf32, #tpu.memory_space<hbm>> -> memref<288x256xf32, #tpu.memory_space<hbm>>
      %dma_wait3A_81 = arith.constant 0 : i32
      %dma_wait3A_82 = tpu.memref_slice %arg5[%mul3A_2, %dma_wait3A_81] : memref<9216x256xf32, #tpu.memory_space<hbm>> -> memref<288x256xf32, #tpu.memory_space<hbm>>
      tpu.wait_dma2 semaphore(%run_scoped3A_74 : memref<!tpu.dma_semaphore, #tpu.memory_space<semaphore_mem>>) src(%arg8 : memref<288x256xf32, #tpu.memory_space<vmem>>) dst(%dma_wait3A_82 : memref<288x256xf32, #tpu.memory_space<hbm>>)
      tpu.yield
    }) : () -> ()
    return
  }
}

module attributes {stable_mosaic.version = 14 : i64} {
  func.func @_argmax_body(%arg0: i32, %arg1: i32, %arg2: memref<1024x256xf32, #tpu.memory_space<vmem>>, %arg3: memref<8192x256xf32, #tpu.memory_space<vmem>>, %arg4: memref<1x128xf32, #tpu.memory_space<vmem>>, %arg5: memref<1x1x1024xi32, #tpu.memory_space<vmem>>, %arg6: memref<1x1x1024xf32, #tpu.memory_space<vmem>>, %arg7: memref<1x1x1024xi32, #tpu.memory_space<vmem>>, %arg8: memref<1024x256xf32, #tpu.memory_space<vmem>>, %arg9: memref<1024x1xf32, #tpu.memory_space<vmem>>, %arg10: memref<1024x1xf32, #tpu.memory_space<vmem>>, %arg11: memref<1024x1xf32, #tpu.memory_space<vmem>>) attributes {dimension_semantics = [#tpu.dimension_semantics<arbitrary>, #tpu.dimension_semantics<arbitrary>], iteration_bounds = array<i64: 9, 1>, scalar_prefetch = 0 : i64, scratch_operands = 4 : i64, tpu.core_type = #tpu.core_type<tc>, window_params = [{transform_indices = @transform_0, window_bounds = array<i64: 1024, 256>}, {transform_indices = @transform_1, window_bounds = array<i64: 8192, 256>}, {pipeline_mode = #tpu.pipeline_mode<synchronous>, transform_indices = @transform_2, window_bounds = array<i64: 1, 128>}, {transform_indices = @transform_3, window_bounds = array<i64: 1, 1, 1024>}, {transform_indices = @transform_4, window_bounds = array<i64: 1, 1, 1024>}, {transform_indices = @transform_5, window_bounds = array<i64: 1, 1, 1024>}]} {
    %eq3A = arith.constant 0 : i32
    %eq3A_0 = arith.cmpi eq, %arg1, %eq3A : i32
    %convert_element_type3A = arith.extui %eq3A_0 : i1 to i32
    %cond3A = arith.constant 0 : i32
    %cond3A_1 = arith.cmpi ne, %convert_element_type3A, %cond3A : i32
    scf.if %cond3A_1 {
      %get3A_413 = arith.constant 0 : index
      %get3A_414 = arith.constant 0 : index
      %get3A_415 = vector.load %arg2[%get3A_413, %get3A_414] : memref<1024x256xf32, #tpu.memory_space<vmem>>, vector<1024x256xf32>
      %mul3A_416 = arith.mulf %get3A_415, %get3A_415 : vector<1024x256xf32>
      %reduce_sum3A = arith.constant dense<0.000000e+00> : vector<1024xf32>
      %reduce_sum3A_417 = vector.multi_reduction <add>, %mul3A_416, %reduce_sum3A [1] : vector<1024x256xf32> to vector<1024xf32>
      %broadcast_in_dim3A_418 = vector.shape_cast %reduce_sum3A_417 : vector<1024xf32> to vector<1024x1xf32>
      %sqrt3A = math.sqrt %broadcast_in_dim3A_418 : vector<1024x1xf32>
      %jit3A_419 = arith.constant 9.99999993E-9 : f32
      %max3A_420 = vector.broadcast %jit3A_419 : f32 to vector<1024x1xf32>
      %max3A_421 = arith.maximumf %max3A_420, %sqrt3A : vector<1024x1xf32>
      %div3A = vector.broadcast %max3A_421 : vector<1024x1xf32> to vector<1024x256xf32>
      %div3A_422 = arith.divf %get3A_415, %div3A : vector<1024x256xf32>
      %swap3A = arith.constant 0 : index
      %swap3A_423 = arith.constant 0 : index
      %swap3A_424 = vector.load %arg8[%swap3A, %swap3A_423] : memref<1024x256xf32, #tpu.memory_space<vmem>>, vector<1024x256xf32>
      tpu.vector_store %arg8[%swap3A, %swap3A_423], %div3A_422 {strides = array<i32>} : memref<1024x256xf32, #tpu.memory_space<vmem>>, vector<1024x256xf32>,
      %swap3A_425 = arith.constant 0 : index
      %swap3A_426 = arith.constant 0 : index
      %swap3A_427 = vector.load %arg9[%swap3A_425, %swap3A_426] : memref<1024x1xf32, #tpu.memory_space<vmem>>, vector<1024x1xf32>
      tpu.vector_store %arg9[%swap3A_425, %swap3A_426], %sqrt3A {strides = array<i32>} : memref<1024x1xf32, #tpu.memory_space<vmem>>, vector<1024x1xf32>,
    } else {
    }
    %get3A = arith.constant 0 : index
    %get3A_2 = arith.constant 0 : index
    %get3A_3 = vector.load %arg8[%get3A, %get3A_2] : memref<1024x256xf32, #tpu.memory_space<vmem>>, vector<1024x256xf32>
    %get3A_4 = arith.constant 0 : index
    %get3A_5 = arith.constant 0 : index
    %get3A_6 = vector.load %arg3[%get3A_4, %get3A_5] : memref<8192x256xf32, #tpu.memory_space<vmem>>, vector<8192x256xf32>
    %dot_general3A = arith.constant dense<0.000000e+00> : vector<1024x8192xf32>
    %dot_general3A_7 = tpu.matmul %get3A_3, %get3A_6, %dot_general3A {dimension_numbers = #tpu.dot_dimension_numbers<[1], [1], [0], [0], [0, 0, 1, 0], [], []>, transpose_lhs_hint = false} : vector<1024x256xf32>, vector<8192x256xf32>, vector<1024x8192xf32> -> vector<1024x8192xf32>
    %slice3A = vector.extract_strided_slice %dot_general3A_7 {offsets = [0, 0], sizes = [1024, 128], strides = [1, 1]} : vector<1024x8192xf32> to vector<1024x128xf32>
    %broadcast_in_dim3A = arith.constant 0.000000e+00 : f32
    %broadcast_in_dim3A_8 = vector.broadcast %broadcast_in_dim3A : f32 to vector<1024x128xf32>
    %slice3A_9 = vector.extract_strided_slice %dot_general3A_7 {offsets = [0, 128], sizes = [1024, 128], strides = [1, 1]} : vector<1024x8192xf32> to vector<1024x128xf32>
    %broadcast_in_dim3A_10 = arith.constant 1.000000e+00 : f32
    %broadcast_in_dim3A_11 = vector.broadcast %broadcast_in_dim3A_10 : f32 to vector<1024x128xf32>
    %slice3A_12 = vector.extract_strided_slice %dot_general3A_7 {offsets = [0, 256], sizes = [1024, 128], strides = [1, 1]} : vector<1024x8192xf32> to vector<1024x128xf32>
    %broadcast_in_dim3A_13 = arith.constant 2.000000e+00 : f32
    %broadcast_in_dim3A_14 = vector.broadcast %broadcast_in_dim3A_13 : f32 to vector<1024x128xf32>
    %slice3A_15 = vector.extract_strided_slice %dot_general3A_7 {offsets = [0, 384], sizes = [1024, 128], strides = [1, 1]} : vector<1024x8192xf32> to vector<1024x128xf32>
    %broadcast_in_dim3A_16 = arith.constant 3.000000e+00 : f32
    %broadcast_in_dim3A_17 = vector.broadcast %broadcast_in_dim3A_16 : f32 to vector<1024x128xf32>
    %slice3A_18 = vector.extract_strided_slice %dot_general3A_7 {offsets = [0, 512], sizes = [1024, 128], strides = [1, 1]} : vector<1024x8192xf32> to vector<1024x128xf32>
    %broadcast_in_dim3A_19 = arith.constant 4.000000e+00 : f32
    %broadcast_in_dim3A_20 = vector.broadcast %broadcast_in_dim3A_19 : f32 to vector<1024x128xf32>
    %slice3A_21 = vector.extract_strided_slice %dot_general3A_7 {offsets = [0, 640], sizes = [1024, 128], strides = [1, 1]} : vector<1024x8192xf32> to vector<1024x128xf32>
    %broadcast_in_dim3A_22 = arith.constant 5.000000e+00 : f32
    %broadcast_in_dim3A_23 = vector.broadcast %broadcast_in_dim3A_22 : f32 to vector<1024x128xf32>
    %slice3A_24 = vector.extract_strided_slice %dot_general3A_7 {offsets = [0, 768], sizes = [1024, 128], strides = [1, 1]} : vector<1024x8192xf32> to vector<1024x128xf32>
    %broadcast_in_dim3A_25 = arith.constant 6.000000e+00 : f32
    %broadcast_in_dim3A_26 = vector.broadcast %broadcast_in_dim3A_25 : f32 to vector<1024x128xf32>
    %slice3A_27 = vector.extract_strided_slice %dot_general3A_7 {offsets = [0, 896], sizes = [1024, 128], strides = [1, 1]} : vector<1024x8192xf32> to vector<1024x128xf32>
    %broadcast_in_dim3A_28 = arith.constant 7.000000e+00 : f32
    %broadcast_in_dim3A_29 = vector.broadcast %broadcast_in_dim3A_28 : f32 to vector<1024x128xf32>
    %slice3A_30 = vector.extract_strided_slice %dot_general3A_7 {offsets = [0, 1024], sizes = [1024, 128], strides = [1, 1]} : vector<1024x8192xf32> to vector<1024x128xf32>
    %broadcast_in_dim3A_31 = arith.constant 8.000000e+00 : f32
    %broadcast_in_dim3A_32 = vector.broadcast %broadcast_in_dim3A_31 : f32 to vector<1024x128xf32>
    %slice3A_33 = vector.extract_strided_slice %dot_general3A_7 {offsets = [0, 1152], sizes = [1024, 128], strides = [1, 1]} : vector<1024x8192xf32> to vector<1024x128xf32>
    %broadcast_in_dim3A_34 = arith.constant 9.000000e+00 : f32
    %broadcast_in_dim3A_35 = vector.broadcast %broadcast_in_dim3A_34 : f32 to vector<1024x128xf32>
    %slice3A_36 = vector.extract_strided_slice %dot_general3A_7 {offsets = [0, 1280], sizes = [1024, 128], strides = [1, 1]} : vector<1024x8192xf32> to vector<1024x128xf32>
    %broadcast_in_dim3A_37 = arith.constant 1.000000e+01 : f32
    %broadcast_in_dim3A_38 = vector.broadcast %broadcast_in_dim3A_37 : f32 to vector<1024x128xf32>
    %slice3A_39 = vector.extract_strided_slice %dot_general3A_7 {offsets = [0, 1408], sizes = [1024, 128], strides = [1, 1]} : vector<1024x8192xf32> to vector<1024x128xf32>
    %broadcast_in_dim3A_40 = arith.constant 1.100000e+01 : f32
    %broadcast_in_dim3A_41 = vector.broadcast %broadcast_in_dim3A_40 : f32 to vector<1024x128xf32>
    %slice3A_42 = vector.extract_strided_slice %dot_general3A_7 {offsets = [0, 1536], sizes = [1024, 128], strides = [1, 1]} : vector<1024x8192xf32> to vector<1024x128xf32>
    %broadcast_in_dim3A_43 = arith.constant 1.200000e+01 : f32
    %broadcast_in_dim3A_44 = vector.broadcast %broadcast_in_dim3A_43 : f32 to vector<1024x128xf32>
    %slice3A_45 = vector.extract_strided_slice %dot_general3A_7 {offsets = [0, 1664], sizes = [1024, 128], strides = [1, 1]} : vector<1024x8192xf32> to vector<1024x128xf32>
    %broadcast_in_dim3A_46 = arith.constant 1.300000e+01 : f32
    %broadcast_in_dim3A_47 = vector.broadcast %broadcast_in_dim3A_46 : f32 to vector<1024x128xf32>
    %slice3A_48 = vector.extract_strided_slice %dot_general3A_7 {offsets = [0, 1792], sizes = [1024, 128], strides = [1, 1]} : vector<1024x8192xf32> to vector<1024x128xf32>
    %broadcast_in_dim3A_49 = arith.constant 1.400000e+01 : f32
    %broadcast_in_dim3A_50 = vector.broadcast %broadcast_in_dim3A_49 : f32 to vector<1024x128xf32>
    %slice3A_51 = vector.extract_strided_slice %dot_general3A_7 {offsets = [0, 1920], sizes = [1024, 128], strides = [1, 1]} : vector<1024x8192xf32> to vector<1024x128xf32>
    %broadcast_in_dim3A_52 = arith.constant 1.500000e+01 : f32
    %broadcast_in_dim3A_53 = vector.broadcast %broadcast_in_dim3A_52 : f32 to vector<1024x128xf32>
    %slice3A_54 = vector.extract_strided_slice %dot_general3A_7 {offsets = [0, 2048], sizes = [1024, 128], strides = [1, 1]} : vector<1024x8192xf32> to vector<1024x128xf32>
    %broadcast_in_dim3A_55 = arith.constant 1.600000e+01 : f32
    %broadcast_in_dim3A_56 = vector.broadcast %broadcast_in_dim3A_55 : f32 to vector<1024x128xf32>
    %slice3A_57 = vector.extract_strided_slice %dot_general3A_7 {offsets = [0, 2176], sizes = [1024, 128], strides = [1, 1]} : vector<1024x8192xf32> to vector<1024x128xf32>
    %broadcast_in_dim3A_58 = arith.constant 1.700000e+01 : f32
    %broadcast_in_dim3A_59 = vector.broadcast %broadcast_in_dim3A_58 : f32 to vector<1024x128xf32>
    %slice3A_60 = vector.extract_strided_slice %dot_general3A_7 {offsets = [0, 2304], sizes = [1024, 128], strides = [1, 1]} : vector<1024x8192xf32> to vector<1024x128xf32>
    %broadcast_in_dim3A_61 = arith.constant 1.800000e+01 : f32
    %broadcast_in_dim3A_62 = vector.broadcast %broadcast_in_dim3A_61 : f32 to vector<1024x128xf32>
    %slice3A_63 = vector.extract_strided_slice %dot_general3A_7 {offsets = [0, 2432], sizes = [1024, 128], strides = [1, 1]} : vector<1024x8192xf32> to vector<1024x128xf32>
    %broadcast_in_dim3A_64 = arith.constant 1.900000e+01 : f32
    %broadcast_in_dim3A_65 = vector.broadcast %broadcast_in_dim3A_64 : f32 to vector<1024x128xf32>
    %slice3A_66 = vector.extract_strided_slice %dot_general3A_7 {offsets = [0, 2560], sizes = [1024, 128], strides = [1, 1]} : vector<1024x8192xf32> to vector<1024x128xf32>
    %broadcast_in_dim3A_67 = arith.constant 2.000000e+01 : f32
    %broadcast_in_dim3A_68 = vector.broadcast %broadcast_in_dim3A_67 : f32 to vector<1024x128xf32>
    %slice3A_69 = vector.extract_strided_slice %dot_general3A_7 {offsets = [0, 2688], sizes = [1024, 128], strides = [1, 1]} : vector<1024x8192xf32> to vector<1024x128xf32>
    %broadcast_in_dim3A_70 = arith.constant 2.100000e+01 : f32
    %broadcast_in_dim3A_71 = vector.broadcast %broadcast_in_dim3A_70 : f32 to vector<1024x128xf32>
    %slice3A_72 = vector.extract_strided_slice %dot_general3A_7 {offsets = [0, 2816], sizes = [1024, 128], strides = [1, 1]} : vector<1024x8192xf32> to vector<1024x128xf32>
    %broadcast_in_dim3A_73 = arith.constant 2.200000e+01 : f32
    %broadcast_in_dim3A_74 = vector.broadcast %broadcast_in_dim3A_73 : f32 to vector<1024x128xf32>
    %slice3A_75 = vector.extract_strided_slice %dot_general3A_7 {offsets = [0, 2944], sizes = [1024, 128], strides = [1, 1]} : vector<1024x8192xf32> to vector<1024x128xf32>
    %broadcast_in_dim3A_76 = arith.constant 2.300000e+01 : f32
    %broadcast_in_dim3A_77 = vector.broadcast %broadcast_in_dim3A_76 : f32 to vector<1024x128xf32>
    %slice3A_78 = vector.extract_strided_slice %dot_general3A_7 {offsets = [0, 3072], sizes = [1024, 128], strides = [1, 1]} : vector<1024x8192xf32> to vector<1024x128xf32>
    %broadcast_in_dim3A_79 = arith.constant 2.400000e+01 : f32
    %broadcast_in_dim3A_80 = vector.broadcast %broadcast_in_dim3A_79 : f32 to vector<1024x128xf32>
    %slice3A_81 = vector.extract_strided_slice %dot_general3A_7 {offsets = [0, 3200], sizes = [1024, 128], strides = [1, 1]} : vector<1024x8192xf32> to vector<1024x128xf32>
    %broadcast_in_dim3A_82 = arith.constant 2.500000e+01 : f32
    %broadcast_in_dim3A_83 = vector.broadcast %broadcast_in_dim3A_82 : f32 to vector<1024x128xf32>
    %slice3A_84 = vector.extract_strided_slice %dot_general3A_7 {offsets = [0, 3328], sizes = [1024, 128], strides = [1, 1]} : vector<1024x8192xf32> to vector<1024x128xf32>
    %broadcast_in_dim3A_85 = arith.constant 2.600000e+01 : f32
    %broadcast_in_dim3A_86 = vector.broadcast %broadcast_in_dim3A_85 : f32 to vector<1024x128xf32>
    %slice3A_87 = vector.extract_strided_slice %dot_general3A_7 {offsets = [0, 3456], sizes = [1024, 128], strides = [1, 1]} : vector<1024x8192xf32> to vector<1024x128xf32>
    %broadcast_in_dim3A_88 = arith.constant 2.700000e+01 : f32
    %broadcast_in_dim3A_89 = vector.broadcast %broadcast_in_dim3A_88 : f32 to vector<1024x128xf32>
    %slice3A_90 = vector.extract_strided_slice %dot_general3A_7 {offsets = [0, 3584], sizes = [1024, 128], strides = [1, 1]} : vector<1024x8192xf32> to vector<1024x128xf32>
    %broadcast_in_dim3A_91 = arith.constant 2.800000e+01 : f32
    %broadcast_in_dim3A_92 = vector.broadcast %broadcast_in_dim3A_91 : f32 to vector<1024x128xf32>
    %slice3A_93 = vector.extract_strided_slice %dot_general3A_7 {offsets = [0, 3712], sizes = [1024, 128], strides = [1, 1]} : vector<1024x8192xf32> to vector<1024x128xf32>
    %broadcast_in_dim3A_94 = arith.constant 2.900000e+01 : f32
    %broadcast_in_dim3A_95 = vector.broadcast %broadcast_in_dim3A_94 : f32 to vector<1024x128xf32>
    %slice3A_96 = vector.extract_strided_slice %dot_general3A_7 {offsets = [0, 3840], sizes = [1024, 128], strides = [1, 1]} : vector<1024x8192xf32> to vector<1024x128xf32>
    %broadcast_in_dim3A_97 = arith.constant 3.000000e+01 : f32
    %broadcast_in_dim3A_98 = vector.broadcast %broadcast_in_dim3A_97 : f32 to vector<1024x128xf32>
    %slice3A_99 = vector.extract_strided_slice %dot_general3A_7 {offsets = [0, 3968], sizes = [1024, 128], strides = [1, 1]} : vector<1024x8192xf32> to vector<1024x128xf32>
    %broadcast_in_dim3A_100 = arith.constant 3.100000e+01 : f32
    %broadcast_in_dim3A_101 = vector.broadcast %broadcast_in_dim3A_100 : f32 to vector<1024x128xf32>
    %slice3A_102 = vector.extract_strided_slice %dot_general3A_7 {offsets = [0, 4096], sizes = [1024, 128], strides = [1, 1]} : vector<1024x8192xf32> to vector<1024x128xf32>
    %broadcast_in_dim3A_103 = arith.constant 3.200000e+01 : f32
    %broadcast_in_dim3A_104 = vector.broadcast %broadcast_in_dim3A_103 : f32 to vector<1024x128xf32>
    %slice3A_105 = vector.extract_strided_slice %dot_general3A_7 {offsets = [0, 4224], sizes = [1024, 128], strides = [1, 1]} : vector<1024x8192xf32> to vector<1024x128xf32>
    %broadcast_in_dim3A_106 = arith.constant 3.300000e+01 : f32
    %broadcast_in_dim3A_107 = vector.broadcast %broadcast_in_dim3A_106 : f32 to vector<1024x128xf32>
    %slice3A_108 = vector.extract_strided_slice %dot_general3A_7 {offsets = [0, 4352], sizes = [1024, 128], strides = [1, 1]} : vector<1024x8192xf32> to vector<1024x128xf32>
    %broadcast_in_dim3A_109 = arith.constant 3.400000e+01 : f32
    %broadcast_in_dim3A_110 = vector.broadcast %broadcast_in_dim3A_109 : f32 to vector<1024x128xf32>
    %slice3A_111 = vector.extract_strided_slice %dot_general3A_7 {offsets = [0, 4480], sizes = [1024, 128], strides = [1, 1]} : vector<1024x8192xf32> to vector<1024x128xf32>
    %broadcast_in_dim3A_112 = arith.constant 3.500000e+01 : f32
    %broadcast_in_dim3A_113 = vector.broadcast %broadcast_in_dim3A_112 : f32 to vector<1024x128xf32>
    %slice3A_114 = vector.extract_strided_slice %dot_general3A_7 {offsets = [0, 4608], sizes = [1024, 128], strides = [1, 1]} : vector<1024x8192xf32> to vector<1024x128xf32>
    %broadcast_in_dim3A_115 = arith.constant 3.600000e+01 : f32
    %broadcast_in_dim3A_116 = vector.broadcast %broadcast_in_dim3A_115 : f32 to vector<1024x128xf32>
    %slice3A_117 = vector.extract_strided_slice %dot_general3A_7 {offsets = [0, 4736], sizes = [1024, 128], strides = [1, 1]} : vector<1024x8192xf32> to vector<1024x128xf32>
    %broadcast_in_dim3A_118 = arith.constant 3.700000e+01 : f32
    %broadcast_in_dim3A_119 = vector.broadcast %broadcast_in_dim3A_118 : f32 to vector<1024x128xf32>
    %slice3A_120 = vector.extract_strided_slice %dot_general3A_7 {offsets = [0, 4864], sizes = [1024, 128], strides = [1, 1]} : vector<1024x8192xf32> to vector<1024x128xf32>
    %broadcast_in_dim3A_121 = arith.constant 3.800000e+01 : f32
    %broadcast_in_dim3A_122 = vector.broadcast %broadcast_in_dim3A_121 : f32 to vector<1024x128xf32>
    %slice3A_123 = vector.extract_strided_slice %dot_general3A_7 {offsets = [0, 4992], sizes = [1024, 128], strides = [1, 1]} : vector<1024x8192xf32> to vector<1024x128xf32>
    %broadcast_in_dim3A_124 = arith.constant 3.900000e+01 : f32
    %broadcast_in_dim3A_125 = vector.broadcast %broadcast_in_dim3A_124 : f32 to vector<1024x128xf32>
    %slice3A_126 = vector.extract_strided_slice %dot_general3A_7 {offsets = [0, 5120], sizes = [1024, 128], strides = [1, 1]} : vector<1024x8192xf32> to vector<1024x128xf32>
    %broadcast_in_dim3A_127 = arith.constant 4.000000e+01 : f32
    %broadcast_in_dim3A_128 = vector.broadcast %broadcast_in_dim3A_127 : f32 to vector<1024x128xf32>
    %slice3A_129 = vector.extract_strided_slice %dot_general3A_7 {offsets = [0, 5248], sizes = [1024, 128], strides = [1, 1]} : vector<1024x8192xf32> to vector<1024x128xf32>
    %broadcast_in_dim3A_130 = arith.constant 4.100000e+01 : f32
    %broadcast_in_dim3A_131 = vector.broadcast %broadcast_in_dim3A_130 : f32 to vector<1024x128xf32>
    %slice3A_132 = vector.extract_strided_slice %dot_general3A_7 {offsets = [0, 5376], sizes = [1024, 128], strides = [1, 1]} : vector<1024x8192xf32> to vector<1024x128xf32>
    %broadcast_in_dim3A_133 = arith.constant 4.200000e+01 : f32
    %broadcast_in_dim3A_134 = vector.broadcast %broadcast_in_dim3A_133 : f32 to vector<1024x128xf32>
    %slice3A_135 = vector.extract_strided_slice %dot_general3A_7 {offsets = [0, 5504], sizes = [1024, 128], strides = [1, 1]} : vector<1024x8192xf32> to vector<1024x128xf32>
    %broadcast_in_dim3A_136 = arith.constant 4.300000e+01 : f32
    %broadcast_in_dim3A_137 = vector.broadcast %broadcast_in_dim3A_136 : f32 to vector<1024x128xf32>
    %slice3A_138 = vector.extract_strided_slice %dot_general3A_7 {offsets = [0, 5632], sizes = [1024, 128], strides = [1, 1]} : vector<1024x8192xf32> to vector<1024x128xf32>
    %broadcast_in_dim3A_139 = arith.constant 4.400000e+01 : f32
    %broadcast_in_dim3A_140 = vector.broadcast %broadcast_in_dim3A_139 : f32 to vector<1024x128xf32>
    %slice3A_141 = vector.extract_strided_slice %dot_general3A_7 {offsets = [0, 5760], sizes = [1024, 128], strides = [1, 1]} : vector<1024x8192xf32> to vector<1024x128xf32>
    %broadcast_in_dim3A_142 = arith.constant 4.500000e+01 : f32
    %broadcast_in_dim3A_143 = vector.broadcast %broadcast_in_dim3A_142 : f32 to vector<1024x128xf32>
    %slice3A_144 = vector.extract_strided_slice %dot_general3A_7 {offsets = [0, 5888], sizes = [1024, 128], strides = [1, 1]} : vector<1024x8192xf32> to vector<1024x128xf32>
    %broadcast_in_dim3A_145 = arith.constant 4.600000e+01 : f32
    %broadcast_in_dim3A_146 = vector.broadcast %broadcast_in_dim3A_145 : f32 to vector<1024x128xf32>
    %slice3A_147 = vector.extract_strided_slice %dot_general3A_7 {offsets = [0, 6016], sizes = [1024, 128], strides = [1, 1]} : vector<1024x8192xf32> to vector<1024x128xf32>
    %broadcast_in_dim3A_148 = arith.constant 4.700000e+01 : f32
    %broadcast_in_dim3A_149 = vector.broadcast %broadcast_in_dim3A_148 : f32 to vector<1024x128xf32>
    %slice3A_150 = vector.extract_strided_slice %dot_general3A_7 {offsets = [0, 6144], sizes = [1024, 128], strides = [1, 1]} : vector<1024x8192xf32> to vector<1024x128xf32>
    %broadcast_in_dim3A_151 = arith.constant 4.800000e+01 : f32
    %broadcast_in_dim3A_152 = vector.broadcast %broadcast_in_dim3A_151 : f32 to vector<1024x128xf32>
    %slice3A_153 = vector.extract_strided_slice %dot_general3A_7 {offsets = [0, 6272], sizes = [1024, 128], strides = [1, 1]} : vector<1024x8192xf32> to vector<1024x128xf32>
    %broadcast_in_dim3A_154 = arith.constant 4.900000e+01 : f32
    %broadcast_in_dim3A_155 = vector.broadcast %broadcast_in_dim3A_154 : f32 to vector<1024x128xf32>
    %slice3A_156 = vector.extract_strided_slice %dot_general3A_7 {offsets = [0, 6400], sizes = [1024, 128], strides = [1, 1]} : vector<1024x8192xf32> to vector<1024x128xf32>
    %broadcast_in_dim3A_157 = arith.constant 5.000000e+01 : f32
    %broadcast_in_dim3A_158 = vector.broadcast %broadcast_in_dim3A_157 : f32 to vector<1024x128xf32>
    %slice3A_159 = vector.extract_strided_slice %dot_general3A_7 {offsets = [0, 6528], sizes = [1024, 128], strides = [1, 1]} : vector<1024x8192xf32> to vector<1024x128xf32>
    %broadcast_in_dim3A_160 = arith.constant 5.100000e+01 : f32
    %broadcast_in_dim3A_161 = vector.broadcast %broadcast_in_dim3A_160 : f32 to vector<1024x128xf32>
    %slice3A_162 = vector.extract_strided_slice %dot_general3A_7 {offsets = [0, 6656], sizes = [1024, 128], strides = [1, 1]} : vector<1024x8192xf32> to vector<1024x128xf32>
    %broadcast_in_dim3A_163 = arith.constant 5.200000e+01 : f32
    %broadcast_in_dim3A_164 = vector.broadcast %broadcast_in_dim3A_163 : f32 to vector<1024x128xf32>
    %slice3A_165 = vector.extract_strided_slice %dot_general3A_7 {offsets = [0, 6784], sizes = [1024, 128], strides = [1, 1]} : vector<1024x8192xf32> to vector<1024x128xf32>
    %broadcast_in_dim3A_166 = arith.constant 5.300000e+01 : f32
    %broadcast_in_dim3A_167 = vector.broadcast %broadcast_in_dim3A_166 : f32 to vector<1024x128xf32>
    %slice3A_168 = vector.extract_strided_slice %dot_general3A_7 {offsets = [0, 6912], sizes = [1024, 128], strides = [1, 1]} : vector<1024x8192xf32> to vector<1024x128xf32>
    %broadcast_in_dim3A_169 = arith.constant 5.400000e+01 : f32
    %broadcast_in_dim3A_170 = vector.broadcast %broadcast_in_dim3A_169 : f32 to vector<1024x128xf32>
    %slice3A_171 = vector.extract_strided_slice %dot_general3A_7 {offsets = [0, 7040], sizes = [1024, 128], strides = [1, 1]} : vector<1024x8192xf32> to vector<1024x128xf32>
    %broadcast_in_dim3A_172 = arith.constant 5.500000e+01 : f32
    %broadcast_in_dim3A_173 = vector.broadcast %broadcast_in_dim3A_172 : f32 to vector<1024x128xf32>
    %slice3A_174 = vector.extract_strided_slice %dot_general3A_7 {offsets = [0, 7168], sizes = [1024, 128], strides = [1, 1]} : vector<1024x8192xf32> to vector<1024x128xf32>
    %broadcast_in_dim3A_175 = arith.constant 5.600000e+01 : f32
    %broadcast_in_dim3A_176 = vector.broadcast %broadcast_in_dim3A_175 : f32 to vector<1024x128xf32>
    %slice3A_177 = vector.extract_strided_slice %dot_general3A_7 {offsets = [0, 7296], sizes = [1024, 128], strides = [1, 1]} : vector<1024x8192xf32> to vector<1024x128xf32>
    %broadcast_in_dim3A_178 = arith.constant 5.700000e+01 : f32
    %broadcast_in_dim3A_179 = vector.broadcast %broadcast_in_dim3A_178 : f32 to vector<1024x128xf32>
    %slice3A_180 = vector.extract_strided_slice %dot_general3A_7 {offsets = [0, 7424], sizes = [1024, 128], strides = [1, 1]} : vector<1024x8192xf32> to vector<1024x128xf32>
    %broadcast_in_dim3A_181 = arith.constant 5.800000e+01 : f32
    %broadcast_in_dim3A_182 = vector.broadcast %broadcast_in_dim3A_181 : f32 to vector<1024x128xf32>
    %slice3A_183 = vector.extract_strided_slice %dot_general3A_7 {offsets = [0, 7552], sizes = [1024, 128], strides = [1, 1]} : vector<1024x8192xf32> to vector<1024x128xf32>
    %broadcast_in_dim3A_184 = arith.constant 5.900000e+01 : f32
    %broadcast_in_dim3A_185 = vector.broadcast %broadcast_in_dim3A_184 : f32 to vector<1024x128xf32>
    %slice3A_186 = vector.extract_strided_slice %dot_general3A_7 {offsets = [0, 7680], sizes = [1024, 128], strides = [1, 1]} : vector<1024x8192xf32> to vector<1024x128xf32>
    %broadcast_in_dim3A_187 = arith.constant 6.000000e+01 : f32
    %broadcast_in_dim3A_188 = vector.broadcast %broadcast_in_dim3A_187 : f32 to vector<1024x128xf32>
    %slice3A_189 = vector.extract_strided_slice %dot_general3A_7 {offsets = [0, 7808], sizes = [1024, 128], strides = [1, 1]} : vector<1024x8192xf32> to vector<1024x128xf32>
    %broadcast_in_dim3A_190 = arith.constant 6.100000e+01 : f32
    %broadcast_in_dim3A_191 = vector.broadcast %broadcast_in_dim3A_190 : f32 to vector<1024x128xf32>
    %slice3A_192 = vector.extract_strided_slice %dot_general3A_7 {offsets = [0, 7936], sizes = [1024, 128], strides = [1, 1]} : vector<1024x8192xf32> to vector<1024x128xf32>
    %broadcast_in_dim3A_193 = arith.constant 6.200000e+01 : f32
    %broadcast_in_dim3A_194 = vector.broadcast %broadcast_in_dim3A_193 : f32 to vector<1024x128xf32>
    %slice3A_195 = vector.extract_strided_slice %dot_general3A_7 {offsets = [0, 8064], sizes = [1024, 128], strides = [1, 1]} : vector<1024x8192xf32> to vector<1024x128xf32>
    %broadcast_in_dim3A_196 = arith.constant 6.300000e+01 : f32
    %broadcast_in_dim3A_197 = vector.broadcast %broadcast_in_dim3A_196 : f32 to vector<1024x128xf32>
    %gt3A = arith.cmpf ogt, %slice3A_9, %slice3A : vector<1024x128xf32>
    %max3A = arith.maximumf %slice3A, %slice3A_9 : vector<1024x128xf32>
    %select_n3A = arith.select %gt3A, %broadcast_in_dim3A_11, %broadcast_in_dim3A_8 : vector<1024x128xi1>, vector<1024x128xf32>
    %gt3A_198 = arith.cmpf ogt, %slice3A_15, %slice3A_12 : vector<1024x128xf32>
    %max3A_199 = arith.maximumf %slice3A_12, %slice3A_15 : vector<1024x128xf32>
    %select_n3A_200 = arith.select %gt3A_198, %broadcast_in_dim3A_17, %broadcast_in_dim3A_14 : vector<1024x128xi1>, vector<1024x128xf32>
    %gt3A_201 = arith.cmpf ogt, %slice3A_21, %slice3A_18 : vector<1024x128xf32>
    %max3A_202 = arith.maximumf %slice3A_18, %slice3A_21 : vector<1024x128xf32>
    %select_n3A_203 = arith.select %gt3A_201, %broadcast_in_dim3A_23, %broadcast_in_dim3A_20 : vector<1024x128xi1>, vector<1024x128xf32>
    %gt3A_204 = arith.cmpf ogt, %slice3A_27, %slice3A_24 : vector<1024x128xf32>
    %max3A_205 = arith.maximumf %slice3A_24, %slice3A_27 : vector<1024x128xf32>
    %select_n3A_206 = arith.select %gt3A_204, %broadcast_in_dim3A_29, %broadcast_in_dim3A_26 : vector<1024x128xi1>, vector<1024x128xf32>
    %gt3A_207 = arith.cmpf ogt, %slice3A_33, %slice3A_30 : vector<1024x128xf32>
    %max3A_208 = arith.maximumf %slice3A_30, %slice3A_33 : vector<1024x128xf32>
    %select_n3A_209 = arith.select %gt3A_207, %broadcast_in_dim3A_35, %broadcast_in_dim3A_32 : vector<1024x128xi1>, vector<1024x128xf32>
    %gt3A_210 = arith.cmpf ogt, %slice3A_39, %slice3A_36 : vector<1024x128xf32>
    %max3A_211 = arith.maximumf %slice3A_36, %slice3A_39 : vector<1024x128xf32>
    %select_n3A_212 = arith.select %gt3A_210, %broadcast_in_dim3A_41, %broadcast_in_dim3A_38 : vector<1024x128xi1>, vector<1024x128xf32>
    %gt3A_213 = arith.cmpf ogt, %slice3A_45, %slice3A_42 : vector<1024x128xf32>
    %max3A_214 = arith.maximumf %slice3A_42, %slice3A_45 : vector<1024x128xf32>
    %select_n3A_215 = arith.select %gt3A_213, %broadcast_in_dim3A_47, %broadcast_in_dim3A_44 : vector<1024x128xi1>, vector<1024x128xf32>
    %gt3A_216 = arith.cmpf ogt, %slice3A_51, %slice3A_48 : vector<1024x128xf32>
    %max3A_217 = arith.maximumf %slice3A_48, %slice3A_51 : vector<1024x128xf32>
    %select_n3A_218 = arith.select %gt3A_216, %broadcast_in_dim3A_53, %broadcast_in_dim3A_50 : vector<1024x128xi1>, vector<1024x128xf32>
    %gt3A_219 = arith.cmpf ogt, %slice3A_57, %slice3A_54 : vector<1024x128xf32>
    %max3A_220 = arith.maximumf %slice3A_54, %slice3A_57 : vector<1024x128xf32>
    %select_n3A_221 = arith.select %gt3A_219, %broadcast_in_dim3A_59, %broadcast_in_dim3A_56 : vector<1024x128xi1>, vector<1024x128xf32>
    %gt3A_222 = arith.cmpf ogt, %slice3A_63, %slice3A_60 : vector<1024x128xf32>
    %max3A_223 = arith.maximumf %slice3A_60, %slice3A_63 : vector<1024x128xf32>
    %select_n3A_224 = arith.select %gt3A_222, %broadcast_in_dim3A_65, %broadcast_in_dim3A_62 : vector<1024x128xi1>, vector<1024x128xf32>
    %gt3A_225 = arith.cmpf ogt, %slice3A_69, %slice3A_66 : vector<1024x128xf32>
    %max3A_226 = arith.maximumf %slice3A_66, %slice3A_69 : vector<1024x128xf32>
    %select_n3A_227 = arith.select %gt3A_225, %broadcast_in_dim3A_71, %broadcast_in_dim3A_68 : vector<1024x128xi1>, vector<1024x128xf32>
    %gt3A_228 = arith.cmpf ogt, %slice3A_75, %slice3A_72 : vector<1024x128xf32>
    %max3A_229 = arith.maximumf %slice3A_72, %slice3A_75 : vector<1024x128xf32>
    %select_n3A_230 = arith.select %gt3A_228, %broadcast_in_dim3A_77, %broadcast_in_dim3A_74 : vector<1024x128xi1>, vector<1024x128xf32>
    %gt3A_231 = arith.cmpf ogt, %slice3A_81, %slice3A_78 : vector<1024x128xf32>
    %max3A_232 = arith.maximumf %slice3A_78, %slice3A_81 : vector<1024x128xf32>
    %select_n3A_233 = arith.select %gt3A_231, %broadcast_in_dim3A_83, %broadcast_in_dim3A_80 : vector<1024x128xi1>, vector<1024x128xf32>
    %gt3A_234 = arith.cmpf ogt, %slice3A_87, %slice3A_84 : vector<1024x128xf32>
    %max3A_235 = arith.maximumf %slice3A_84, %slice3A_87 : vector<1024x128xf32>
    %select_n3A_236 = arith.select %gt3A_234, %broadcast_in_dim3A_89, %broadcast_in_dim3A_86 : vector<1024x128xi1>, vector<1024x128xf32>
    %gt3A_237 = arith.cmpf ogt, %slice3A_93, %slice3A_90 : vector<1024x128xf32>
    %max3A_238 = arith.maximumf %slice3A_90, %slice3A_93 : vector<1024x128xf32>
    %select_n3A_239 = arith.select %gt3A_237, %broadcast_in_dim3A_95, %broadcast_in_dim3A_92 : vector<1024x128xi1>, vector<1024x128xf32>
    %gt3A_240 = arith.cmpf ogt, %slice3A_99, %slice3A_96 : vector<1024x128xf32>
    %max3A_241 = arith.maximumf %slice3A_96, %slice3A_99 : vector<1024x128xf32>
    %select_n3A_242 = arith.select %gt3A_240, %broadcast_in_dim3A_101, %broadcast_in_dim3A_98 : vector<1024x128xi1>, vector<1024x128xf32>
    %gt3A_243 = arith.cmpf ogt, %slice3A_105, %slice3A_102 : vector<1024x128xf32>
    %max3A_244 = arith.maximumf %slice3A_102, %slice3A_105 : vector<1024x128xf32>
    %select_n3A_245 = arith.select %gt3A_243, %broadcast_in_dim3A_107, %broadcast_in_dim3A_104 : vector<1024x128xi1>, vector<1024x128xf32>
    %gt3A_246 = arith.cmpf ogt, %slice3A_111, %slice3A_108 : vector<1024x128xf32>
    %max3A_247 = arith.maximumf %slice3A_108, %slice3A_111 : vector<1024x128xf32>
    %select_n3A_248 = arith.select %gt3A_246, %broadcast_in_dim3A_113, %broadcast_in_dim3A_110 : vector<1024x128xi1>, vector<1024x128xf32>
    %gt3A_249 = arith.cmpf ogt, %slice3A_117, %slice3A_114 : vector<1024x128xf32>
    %max3A_250 = arith.maximumf %slice3A_114, %slice3A_117 : vector<1024x128xf32>
    %select_n3A_251 = arith.select %gt3A_249, %broadcast_in_dim3A_119, %broadcast_in_dim3A_116 : vector<1024x128xi1>, vector<1024x128xf32>
    %gt3A_252 = arith.cmpf ogt, %slice3A_123, %slice3A_120 : vector<1024x128xf32>
    %max3A_253 = arith.maximumf %slice3A_120, %slice3A_123 : vector<1024x128xf32>
    %select_n3A_254 = arith.select %gt3A_252, %broadcast_in_dim3A_125, %broadcast_in_dim3A_122 : vector<1024x128xi1>, vector<1024x128xf32>
    %gt3A_255 = arith.cmpf ogt, %slice3A_129, %slice3A_126 : vector<1024x128xf32>
    %max3A_256 = arith.maximumf %slice3A_126, %slice3A_129 : vector<1024x128xf32>
    %select_n3A_257 = arith.select %gt3A_255, %broadcast_in_dim3A_131, %broadcast_in_dim3A_128 : vector<1024x128xi1>, vector<1024x128xf32>
    %gt3A_258 = arith.cmpf ogt, %slice3A_135, %slice3A_132 : vector<1024x128xf32>
    %max3A_259 = arith.maximumf %slice3A_132, %slice3A_135 : vector<1024x128xf32>
    %select_n3A_260 = arith.select %gt3A_258, %broadcast_in_dim3A_137, %broadcast_in_dim3A_134 : vector<1024x128xi1>, vector<1024x128xf32>
    %gt3A_261 = arith.cmpf ogt, %slice3A_141, %slice3A_138 : vector<1024x128xf32>
    %max3A_262 = arith.maximumf %slice3A_138, %slice3A_141 : vector<1024x128xf32>
    %select_n3A_263 = arith.select %gt3A_261, %broadcast_in_dim3A_143, %broadcast_in_dim3A_140 : vector<1024x128xi1>, vector<1024x128xf32>
    %gt3A_264 = arith.cmpf ogt, %slice3A_147, %slice3A_144 : vector<1024x128xf32>
    %max3A_265 = arith.maximumf %slice3A_144, %slice3A_147 : vector<1024x128xf32>
    %select_n3A_266 = arith.select %gt3A_264, %broadcast_in_dim3A_149, %broadcast_in_dim3A_146 : vector<1024x128xi1>, vector<1024x128xf32>
    %gt3A_267 = arith.cmpf ogt, %slice3A_153, %slice3A_150 : vector<1024x128xf32>
    %max3A_268 = arith.maximumf %slice3A_150, %slice3A_153 : vector<1024x128xf32>
    %select_n3A_269 = arith.select %gt3A_267, %broadcast_in_dim3A_155, %broadcast_in_dim3A_152 : vector<1024x128xi1>, vector<1024x128xf32>
    %gt3A_270 = arith.cmpf ogt, %slice3A_159, %slice3A_156 : vector<1024x128xf32>
    %max3A_271 = arith.maximumf %slice3A_156, %slice3A_159 : vector<1024x128xf32>
    %select_n3A_272 = arith.select %gt3A_270, %broadcast_in_dim3A_161, %broadcast_in_dim3A_158 : vector<1024x128xi1>, vector<1024x128xf32>
    %gt3A_273 = arith.cmpf ogt, %slice3A_165, %slice3A_162 : vector<1024x128xf32>
    %max3A_274 = arith.maximumf %slice3A_162, %slice3A_165 : vector<1024x128xf32>
    %select_n3A_275 = arith.select %gt3A_273, %broadcast_in_dim3A_167, %broadcast_in_dim3A_164 : vector<1024x128xi1>, vector<1024x128xf32>
    %gt3A_276 = arith.cmpf ogt, %slice3A_171, %slice3A_168 : vector<1024x128xf32>
    %max3A_277 = arith.maximumf %slice3A_168, %slice3A_171 : vector<1024x128xf32>
    %select_n3A_278 = arith.select %gt3A_276, %broadcast_in_dim3A_173, %broadcast_in_dim3A_170 : vector<1024x128xi1>, vector<1024x128xf32>
    %gt3A_279 = arith.cmpf ogt, %slice3A_177, %slice3A_174 : vector<1024x128xf32>
    %max3A_280 = arith.maximumf %slice3A_174, %slice3A_177 : vector<1024x128xf32>
    %select_n3A_281 = arith.select %gt3A_279, %broadcast_in_dim3A_179, %broadcast_in_dim3A_176 : vector<1024x128xi1>, vector<1024x128xf32>
    %gt3A_282 = arith.cmpf ogt, %slice3A_183, %slice3A_180 : vector<1024x128xf32>
    %max3A_283 = arith.maximumf %slice3A_180, %slice3A_183 : vector<1024x128xf32>
    %select_n3A_284 = arith.select %gt3A_282, %broadcast_in_dim3A_185, %broadcast_in_dim3A_182 : vector<1024x128xi1>, vector<1024x128xf32>
    %gt3A_285 = arith.cmpf ogt, %slice3A_189, %slice3A_186 : vector<1024x128xf32>
    %max3A_286 = arith.maximumf %slice3A_186, %slice3A_189 : vector<1024x128xf32>
    %select_n3A_287 = arith.select %gt3A_285, %broadcast_in_dim3A_191, %broadcast_in_dim3A_188 : vector<1024x128xi1>, vector<1024x128xf32>
    %gt3A_288 = arith.cmpf ogt, %slice3A_195, %slice3A_192 : vector<1024x128xf32>
    %max3A_289 = arith.maximumf %slice3A_192, %slice3A_195 : vector<1024x128xf32>
    %select_n3A_290 = arith.select %gt3A_288, %broadcast_in_dim3A_197, %broadcast_in_dim3A_194 : vector<1024x128xi1>, vector<1024x128xf32>
    %gt3A_291 = arith.cmpf ogt, %max3A_199, %max3A : vector<1024x128xf32>
    %max3A_292 = arith.maximumf %max3A, %max3A_199 : vector<1024x128xf32>
    %select_n3A_293 = arith.select %gt3A_291, %select_n3A_200, %select_n3A : vector<1024x128xi1>, vector<1024x128xf32>
    %gt3A_294 = arith.cmpf ogt, %max3A_205, %max3A_202 : vector<1024x128xf32>
    %max3A_295 = arith.maximumf %max3A_202, %max3A_205 : vector<1024x128xf32>
    %select_n3A_296 = arith.select %gt3A_294, %select_n3A_206, %select_n3A_203 : vector<1024x128xi1>, vector<1024x128xf32>
    %gt3A_297 = arith.cmpf ogt, %max3A_211, %max3A_208 : vector<1024x128xf32>
    %max3A_298 = arith.maximumf %max3A_208, %max3A_211 : vector<1024x128xf32>
    %select_n3A_299 = arith.select %gt3A_297, %select_n3A_212, %select_n3A_209 : vector<1024x128xi1>, vector<1024x128xf32>
    %gt3A_300 = arith.cmpf ogt, %max3A_217, %max3A_214 : vector<1024x128xf32>
    %max3A_301 = arith.maximumf %max3A_214, %max3A_217 : vector<1024x128xf32>
    %select_n3A_302 = arith.select %gt3A_300, %select_n3A_218, %select_n3A_215 : vector<1024x128xi1>, vector<1024x128xf32>
    %gt3A_303 = arith.cmpf ogt, %max3A_223, %max3A_220 : vector<1024x128xf32>
    %max3A_304 = arith.maximumf %max3A_220, %max3A_223 : vector<1024x128xf32>
    %select_n3A_305 = arith.select %gt3A_303, %select_n3A_224, %select_n3A_221 : vector<1024x128xi1>, vector<1024x128xf32>
    %gt3A_306 = arith.cmpf ogt, %max3A_229, %max3A_226 : vector<1024x128xf32>
    %max3A_307 = arith.maximumf %max3A_226, %max3A_229 : vector<1024x128xf32>
    %select_n3A_308 = arith.select %gt3A_306, %select_n3A_230, %select_n3A_227 : vector<1024x128xi1>, vector<1024x128xf32>
    %gt3A_309 = arith.cmpf ogt, %max3A_235, %max3A_232 : vector<1024x128xf32>
    %max3A_310 = arith.maximumf %max3A_232, %max3A_235 : vector<1024x128xf32>
    %select_n3A_311 = arith.select %gt3A_309, %select_n3A_236, %select_n3A_233 : vector<1024x128xi1>, vector<1024x128xf32>
    %gt3A_312 = arith.cmpf ogt, %max3A_241, %max3A_238 : vector<1024x128xf32>
    %max3A_313 = arith.maximumf %max3A_238, %max3A_241 : vector<1024x128xf32>
    %select_n3A_314 = arith.select %gt3A_312, %select_n3A_242, %select_n3A_239 : vector<1024x128xi1>, vector<1024x128xf32>
    %gt3A_315 = arith.cmpf ogt, %max3A_247, %max3A_244 : vector<1024x128xf32>
    %max3A_316 = arith.maximumf %max3A_244, %max3A_247 : vector<1024x128xf32>
    %select_n3A_317 = arith.select %gt3A_315, %select_n3A_248, %select_n3A_245 : vector<1024x128xi1>, vector<1024x128xf32>
    %gt3A_318 = arith.cmpf ogt, %max3A_253, %max3A_250 : vector<1024x128xf32>
    %max3A_319 = arith.maximumf %max3A_250, %max3A_253 : vector<1024x128xf32>
    %select_n3A_320 = arith.select %gt3A_318, %select_n3A_254, %select_n3A_251 : vector<1024x128xi1>, vector<1024x128xf32>
    %gt3A_321 = arith.cmpf ogt, %max3A_259, %max3A_256 : vector<1024x128xf32>
    %max3A_322 = arith.maximumf %max3A_256, %max3A_259 : vector<1024x128xf32>
    %select_n3A_323 = arith.select %gt3A_321, %select_n3A_260, %select_n3A_257 : vector<1024x128xi1>, vector<1024x128xf32>
    %gt3A_324 = arith.cmpf ogt, %max3A_265, %max3A_262 : vector<1024x128xf32>
    %max3A_325 = arith.maximumf %max3A_262, %max3A_265 : vector<1024x128xf32>
    %select_n3A_326 = arith.select %gt3A_324, %select_n3A_266, %select_n3A_263 : vector<1024x128xi1>, vector<1024x128xf32>
    %gt3A_327 = arith.cmpf ogt, %max3A_271, %max3A_268 : vector<1024x128xf32>
    %max3A_328 = arith.maximumf %max3A_268, %max3A_271 : vector<1024x128xf32>
    %select_n3A_329 = arith.select %gt3A_327, %select_n3A_272, %select_n3A_269 : vector<1024x128xi1>, vector<1024x128xf32>
    %gt3A_330 = arith.cmpf ogt, %max3A_277, %max3A_274 : vector<1024x128xf32>
    %max3A_331 = arith.maximumf %max3A_274, %max3A_277 : vector<1024x128xf32>
    %select_n3A_332 = arith.select %gt3A_330, %select_n3A_278, %select_n3A_275 : vector<1024x128xi1>, vector<1024x128xf32>
    %gt3A_333 = arith.cmpf ogt, %max3A_283, %max3A_280 : vector<1024x128xf32>
    %max3A_334 = arith.maximumf %max3A_280, %max3A_283 : vector<1024x128xf32>
    %select_n3A_335 = arith.select %gt3A_333, %select_n3A_284, %select_n3A_281 : vector<1024x128xi1>, vector<1024x128xf32>
    %gt3A_336 = arith.cmpf ogt, %max3A_289, %max3A_286 : vector<1024x128xf32>
    %max3A_337 = arith.maximumf %max3A_286, %max3A_289 : vector<1024x128xf32>
    %select_n3A_338 = arith.select %gt3A_336, %select_n3A_290, %select_n3A_287 : vector<1024x128xi1>, vector<1024x128xf32>
    %gt3A_339 = arith.cmpf ogt, %max3A_295, %max3A_292 : vector<1024x128xf32>
    %max3A_340 = arith.maximumf %max3A_292, %max3A_295 : vector<1024x128xf32>
    %select_n3A_341 = arith.select %gt3A_339, %select_n3A_296, %select_n3A_293 : vector<1024x128xi1>, vector<1024x128xf32>
    %gt3A_342 = arith.cmpf ogt, %max3A_301, %max3A_298 : vector<1024x128xf32>
    %max3A_343 = arith.maximumf %max3A_298, %max3A_301 : vector<1024x128xf32>
    %select_n3A_344 = arith.select %gt3A_342, %select_n3A_302, %select_n3A_299 : vector<1024x128xi1>, vector<1024x128xf32>
    %gt3A_345 = arith.cmpf ogt, %max3A_307, %max3A_304 : vector<1024x128xf32>
    %max3A_346 = arith.maximumf %max3A_304, %max3A_307 : vector<1024x128xf32>
    %select_n3A_347 = arith.select %gt3A_345, %select_n3A_308, %select_n3A_305 : vector<1024x128xi1>, vector<1024x128xf32>
    %gt3A_348 = arith.cmpf ogt, %max3A_313, %max3A_310 : vector<1024x128xf32>
    %max3A_349 = arith.maximumf %max3A_310, %max3A_313 : vector<1024x128xf32>
    %select_n3A_350 = arith.select %gt3A_348, %select_n3A_314, %select_n3A_311 : vector<1024x128xi1>, vector<1024x128xf32>
    %gt3A_351 = arith.cmpf ogt, %max3A_319, %max3A_316 : vector<1024x128xf32>
    %max3A_352 = arith.maximumf %max3A_316, %max3A_319 : vector<1024x128xf32>
    %select_n3A_353 = arith.select %gt3A_351, %select_n3A_320, %select_n3A_317 : vector<1024x128xi1>, vector<1024x128xf32>
    %gt3A_354 = arith.cmpf ogt, %max3A_325, %max3A_322 : vector<1024x128xf32>
    %max3A_355 = arith.maximumf %max3A_322, %max3A_325 : vector<1024x128xf32>
    %select_n3A_356 = arith.select %gt3A_354, %select_n3A_326, %select_n3A_323 : vector<1024x128xi1>, vector<1024x128xf32>
    %gt3A_357 = arith.cmpf ogt, %max3A_331, %max3A_328 : vector<1024x128xf32>
    %max3A_358 = arith.maximumf %max3A_328, %max3A_331 : vector<1024x128xf32>
    %select_n3A_359 = arith.select %gt3A_357, %select_n3A_332, %select_n3A_329 : vector<1024x128xi1>, vector<1024x128xf32>
    %gt3A_360 = arith.cmpf ogt, %max3A_337, %max3A_334 : vector<1024x128xf32>
    %max3A_361 = arith.maximumf %max3A_334, %max3A_337 : vector<1024x128xf32>
    %select_n3A_362 = arith.select %gt3A_360, %select_n3A_338, %select_n3A_335 : vector<1024x128xi1>, vector<1024x128xf32>
    %gt3A_363 = arith.cmpf ogt, %max3A_343, %max3A_340 : vector<1024x128xf32>
    %max3A_364 = arith.maximumf %max3A_340, %max3A_343 : vector<1024x128xf32>
    %select_n3A_365 = arith.select %gt3A_363, %select_n3A_344, %select_n3A_341 : vector<1024x128xi1>, vector<1024x128xf32>
    %gt3A_366 = arith.cmpf ogt, %max3A_349, %max3A_346 : vector<1024x128xf32>
    %max3A_367 = arith.maximumf %max3A_346, %max3A_349 : vector<1024x128xf32>
    %select_n3A_368 = arith.select %gt3A_366, %select_n3A_350, %select_n3A_347 : vector<1024x128xi1>, vector<1024x128xf32>
    %gt3A_369 = arith.cmpf ogt, %max3A_355, %max3A_352 : vector<1024x128xf32>
    %max3A_370 = arith.maximumf %max3A_352, %max3A_355 : vector<1024x128xf32>
    %select_n3A_371 = arith.select %gt3A_369, %select_n3A_356, %select_n3A_353 : vector<1024x128xi1>, vector<1024x128xf32>
    %gt3A_372 = arith.cmpf ogt, %max3A_361, %max3A_358 : vector<1024x128xf32>
    %max3A_373 = arith.maximumf %max3A_358, %max3A_361 : vector<1024x128xf32>
    %select_n3A_374 = arith.select %gt3A_372, %select_n3A_362, %select_n3A_359 : vector<1024x128xi1>, vector<1024x128xf32>
    %gt3A_375 = arith.cmpf ogt, %max3A_367, %max3A_364 : vector<1024x128xf32>
    %max3A_376 = arith.maximumf %max3A_364, %max3A_367 : vector<1024x128xf32>
    %select_n3A_377 = arith.select %gt3A_375, %select_n3A_368, %select_n3A_365 : vector<1024x128xi1>, vector<1024x128xf32>
    %gt3A_378 = arith.cmpf ogt, %max3A_373, %max3A_370 : vector<1024x128xf32>
    %max3A_379 = arith.maximumf %max3A_370, %max3A_373 : vector<1024x128xf32>
    %select_n3A_380 = arith.select %gt3A_378, %select_n3A_374, %select_n3A_371 : vector<1024x128xi1>, vector<1024x128xf32>
    %gt3A_381 = arith.cmpf ogt, %max3A_379, %max3A_376 : vector<1024x128xf32>
    %max3A_382 = arith.maximumf %max3A_376, %max3A_379 : vector<1024x128xf32>
    %select_n3A_383 = arith.select %gt3A_381, %select_n3A_380, %select_n3A_377 : vector<1024x128xi1>, vector<1024x128xf32>
    %reduce_max3A = arith.constant dense<0xFF800000> : vector<1024xf32>
    %reduce_max3A_384 = vector.multi_reduction <maximumf>, %max3A_382, %reduce_max3A [1] : vector<1024x128xf32> to vector<1024xf32>
    %broadcast_in_dim3A_385 = vector.shape_cast %reduce_max3A_384 : vector<1024xf32> to vector<1024x1xf32>
    %eq3A_386 = vector.broadcast %broadcast_in_dim3A_385 : vector<1024x1xf32> to vector<1024x128xf32>
    %eq3A_387 = arith.cmpf oeq, %max3A_382, %eq3A_386 : vector<1024x128xf32>
    %mul3A = arith.constant 1.280000e+02 : f32
    %mul3A_388 = vector.broadcast %mul3A : f32 to vector<1024x128xf32>
    %mul3A_389 = arith.mulf %select_n3A_383, %mul3A_388 : vector<1024x128xf32>
    %get3A_390 = arith.constant 0 : index
    %get3A_391 = arith.constant 0 : index
    %get3A_392 = vector.load %arg4[%get3A_390, %get3A_391] : memref<1x128xf32, #tpu.memory_space<vmem>>, vector<1x128xf32>
    %add3A = vector.broadcast %get3A_392 : vector<1x128xf32> to vector<1024x128xf32>
    %add3A_393 = arith.addf %mul3A_389, %add3A : vector<1024x128xf32>
    %jit3A = arith.constant 4.000000e+06 : f32
    %broadcast_in_dim3A_394 = vector.broadcast %jit3A : f32 to vector<1024x128xf32>
    %select_n3A_395 = arith.select %eq3A_387, %add3A_393, %broadcast_in_dim3A_394 : vector<1024x128xi1>, vector<1024x128xf32>
    %reduce_min3A = arith.constant dense<0x7F800000> : vector<1024xf32>
    %reduce_min3A_396 = vector.multi_reduction <minimumf>, %select_n3A_395, %reduce_min3A [1] : vector<1024x128xf32> to vector<1024xf32>
    %broadcast_in_dim3A_397 = vector.shape_cast %reduce_min3A_396 : vector<1024xf32> to vector<1024x1xf32>
    %eq3A_398 = arith.constant 0 : i32
    %eq3A_399 = arith.cmpi eq, %arg1, %eq3A_398 : i32
    %convert_element_type3A_400 = arith.extui %eq3A_399 : i1 to i32
    %cond3A_401 = arith.constant 0 : i32
    %cond3A_402 = arith.cmpi ne, %convert_element_type3A_400, %cond3A_401 : i32
    scf.if %cond3A_402 {
      %swap3A = arith.constant 0 : index
      %swap3A_413 = arith.constant 0 : index
      %swap3A_414 = vector.load %arg10[%swap3A, %swap3A_413] : memref<1024x1xf32, #tpu.memory_space<vmem>>, vector<1024x1xf32>
      tpu.vector_store %arg10[%swap3A, %swap3A_413], %broadcast_in_dim3A_385 {strides = array<i32>} : memref<1024x1xf32, #tpu.memory_space<vmem>>, vector<1024x1xf32>,
      %swap3A_415 = arith.constant 0 : index
      %swap3A_416 = arith.constant 0 : index
      %swap3A_417 = vector.load %arg11[%swap3A_415, %swap3A_416] : memref<1024x1xf32, #tpu.memory_space<vmem>>, vector<1024x1xf32>
      tpu.vector_store %arg11[%swap3A_415, %swap3A_416], %broadcast_in_dim3A_397 {strides = array<i32>} : memref<1024x1xf32, #tpu.memory_space<vmem>>, vector<1024x1xf32>,
    } else {
    }
    %gt3A_403 = arith.constant 0 : i32
    %gt3A_404 = arith.cmpi sgt, %arg1, %gt3A_403 : i32
    %convert_element_type3A_405 = arith.extui %gt3A_404 : i1 to i32
    %cond3A_406 = arith.constant 0 : i32
    %cond3A_407 = arith.cmpi ne, %convert_element_type3A_405, %cond3A_406 : i32
    scf.if %cond3A_407 {
      %get3A_413 = arith.constant 0 : index
      %get3A_414 = arith.constant 0 : index
      %get3A_415 = vector.load %arg10[%get3A_413, %get3A_414] : memref<1024x1xf32, #tpu.memory_space<vmem>>, vector<1024x1xf32>
      %gt3A_416 = arith.cmpf ogt, %broadcast_in_dim3A_385, %get3A_415 : vector<1024x1xf32>
      %select_n3A_417 = arith.select %gt3A_416, %broadcast_in_dim3A_385, %get3A_415 : vector<1024x1xi1>, vector<1024x1xf32>
      %swap3A = arith.constant 0 : index
      %swap3A_418 = arith.constant 0 : index
      %swap3A_419 = vector.load %arg10[%swap3A, %swap3A_418] : memref<1024x1xf32, #tpu.memory_space<vmem>>, vector<1024x1xf32>
      tpu.vector_store %arg10[%swap3A, %swap3A_418], %select_n3A_417 {strides = array<i32>} : memref<1024x1xf32, #tpu.memory_space<vmem>>, vector<1024x1xf32>,
      %get3A_420 = arith.constant 0 : index
      %get3A_421 = arith.constant 0 : index
      %get3A_422 = vector.load %arg11[%get3A_420, %get3A_421] : memref<1024x1xf32, #tpu.memory_space<vmem>>, vector<1024x1xf32>
      %select_n3A_423 = arith.select %gt3A_416, %broadcast_in_dim3A_397, %get3A_422 : vector<1024x1xi1>, vector<1024x1xf32>
      %swap3A_424 = arith.constant 0 : index
      %swap3A_425 = arith.constant 0 : index
      %swap3A_426 = vector.load %arg11[%swap3A_424, %swap3A_425] : memref<1024x1xf32, #tpu.memory_space<vmem>>, vector<1024x1xf32>
      tpu.vector_store %arg11[%swap3A_424, %swap3A_425], %select_n3A_423 {strides = array<i32>} : memref<1024x1xf32, #tpu.memory_space<vmem>>, vector<1024x1xf32>,
    } else {
    }
    %eq3A_408 = arith.constant 0 : i32
    %eq3A_409 = arith.cmpi eq, %arg1, %eq3A_408 : i32
    %convert_element_type3A_410 = arith.extui %eq3A_409 : i1 to i32
    %cond3A_411 = arith.constant 0 : i32
    %cond3A_412 = arith.cmpi ne, %convert_element_type3A_410, %cond3A_411 : i32
    scf.if %cond3A_412 {
      %get3A_413 = arith.constant 0 : index
      %get3A_414 = arith.constant 0 : index
      %get3A_415 = vector.load %arg9[%get3A_413, %get3A_414] : memref<1024x1xf32, #tpu.memory_space<vmem>>, vector<1024x1xf32>
      %div3A = arith.constant 2.001000e+00 : f32
      %div3A_416 = vector.broadcast %div3A : f32 to vector<1024x1xf32>
      %div3A_417 = arith.divf %get3A_415, %div3A_416 : vector<1024x1xf32>
      %tanh3A = math.tanh %div3A_417 : vector<1024x1xf32>
      %mul3A_418 = arith.constant 4.000000e+00 : f32
      %mul3A_419 = vector.broadcast %mul3A_418 : f32 to vector<1024x1xf32>
      %mul3A_420 = arith.mulf %tanh3A, %mul3A_419 : vector<1024x1xf32>
      %round3A = math.roundeven %mul3A_420 : vector<1024x1xf32>
      %jit3A_421 = arith.constant 0.000000e+00 : f32
      %jit3A_422 = arith.constant 4.000000e+00 : f32
      %max3A_423 = vector.broadcast %jit3A_421 : f32 to vector<1024x1xf32>
      %max3A_424 = arith.maximumf %max3A_423, %round3A : vector<1024x1xf32>
      %min3A = vector.broadcast %jit3A_422 : f32 to vector<1024x1xf32>
      %min3A_425 = arith.minimumf %min3A, %max3A_424 : vector<1024x1xf32>
      %convert_element_type3A_426 = arith.fptosi %min3A_425 : vector<1024x1xf32> to vector<1024x1xi32>
      %div3A_427 = arith.constant 4.000000e+00 : f32
      %div3A_428 = vector.broadcast %div3A_427 : f32 to vector<1024x1xf32>
      %div3A_429 = arith.divf %min3A_425, %div3A_428 : vector<1024x1xf32>
      %mul3A_430 = arith.constant 0.949999988 : f32
      %mul3A_431 = vector.broadcast %mul3A_430 : f32 to vector<1024x1xf32>
      %mul3A_432 = arith.mulf %mul3A_431, %div3A_429 : vector<1024x1xf32>
      %add3A_433 = arith.constant 5.000000e-02 : f32
      %add3A_434 = vector.broadcast %add3A_433 : f32 to vector<1024x1xf32>
      %add3A_435 = arith.addf %add3A_434, %mul3A_432 : vector<1024x1xf32>
      %get3A_436 = arith.constant 0 : index
      %get3A_437 = arith.constant 0 : index
      %get3A_438 = vector.load %arg11[%get3A_436, %get3A_437] : memref<1024x1xf32, #tpu.memory_space<vmem>>, vector<1024x1xf32>
      %convert_element_type3A_439 = arith.fptosi %get3A_438 : vector<1024x1xf32> to vector<1024x1xi32>
      %squeeze3A = vector.shape_cast %convert_element_type3A_439 : vector<1024x1xi32> to vector<1024xi32>
      %swap3A = arith.constant 0 : index
      %swap3A_440 = arith.constant 0 : index
      %swap3A_441 = arith.constant 0 : index
      %swap3A_442 = vector.load %arg5[%swap3A, %swap3A_440, %swap3A_441] : memref<1x1x1024xi32, #tpu.memory_space<vmem>>, vector<1x1x1024xi32>
      %swap3A_443 = vector.shape_cast %swap3A_442 : vector<1x1x1024xi32> to vector<1024xi32>
      %swap3A_444 = vector.shape_cast %squeeze3A : vector<1024xi32> to vector<1x1x1024xi32>
      tpu.vector_store %arg5[%swap3A, %swap3A_440, %swap3A_441], %swap3A_444 {strides = array<i32>} : memref<1x1x1024xi32, #tpu.memory_space<vmem>>, vector<1x1x1024xi32>,
      %squeeze3A_445 = vector.shape_cast %add3A_435 : vector<1024x1xf32> to vector<1024xf32>
      %swap3A_446 = arith.constant 0 : index
      %swap3A_447 = arith.constant 0 : index
      %swap3A_448 = arith.constant 0 : index
      %swap3A_449 = vector.load %arg6[%swap3A_446, %swap3A_447, %swap3A_448] : memref<1x1x1024xf32, #tpu.memory_space<vmem>>, vector<1x1x1024xf32>
      %swap3A_450 = vector.shape_cast %swap3A_449 : vector<1x1x1024xf32> to vector<1024xf32>
      %swap3A_451 = vector.shape_cast %squeeze3A_445 : vector<1024xf32> to vector<1x1x1024xf32>
      tpu.vector_store %arg6[%swap3A_446, %swap3A_447, %swap3A_448], %swap3A_451 {strides = array<i32>} : memref<1x1x1024xf32, #tpu.memory_space<vmem>>, vector<1x1x1024xf32>,
      %mul3A_452 = arith.constant 5 : i32
      %mul3A_453 = vector.broadcast %mul3A_452 : i32 to vector<1024x1xi32>
      %mul3A_454 = arith.muli %convert_element_type3A_439, %mul3A_453 : vector<1024x1xi32>
      %add3A_455 = arith.addi %mul3A_454, %convert_element_type3A_426 : vector<1024x1xi32>
      %squeeze3A_456 = vector.shape_cast %add3A_455 : vector<1024x1xi32> to vector<1024xi32>
      %swap3A_457 = arith.constant 0 : index
      %swap3A_458 = arith.constant 0 : index
      %swap3A_459 = arith.constant 0 : index
      %swap3A_460 = vector.load %arg7[%swap3A_457, %swap3A_458, %swap3A_459] : memref<1x1x1024xi32, #tpu.memory_space<vmem>>, vector<1x1x1024xi32>
      %swap3A_461 = vector.shape_cast %swap3A_460 : vector<1x1x1024xi32> to vector<1024xi32>
      %swap3A_462 = vector.shape_cast %squeeze3A_456 : vector<1024xi32> to vector<1x1x1024xi32>
      tpu.vector_store %arg7[%swap3A_457, %swap3A_458, %swap3A_459], %swap3A_462 {strides = array<i32>} : memref<1x1x1024xi32, #tpu.memory_space<vmem>>, vector<1x1x1024xi32>,
    } else {
    }
    return
  }
  func.func @transform_0(%arg0: i32, %arg1: i32) -> (i32, i32) {
    %c0_i32 = arith.constant 0 : i32
    %c0_i32_0 = arith.constant 0 : i32
    return %arg0, %c0_i32 : i32, i32
  }
  func.func @transform_1(%arg0: i32, %arg1: i32) -> (i32, i32) {
    %c0_i32 = arith.constant 0 : i32
    %c0_i32_0 = arith.constant 0 : i32
    return %arg1, %c0_i32 : i32, i32
  }
  func.func @transform_2(%arg0: i32, %arg1: i32) -> (i32, i32) {
    %c0_i32 = arith.constant 0 : i32
    %c0_i32_0 = arith.constant 0 : i32
    %c0_i32_1 = arith.constant 0 : i32
    return %c0_i32, %c0_i32_0 : i32, i32
  }
  func.func @transform_3(%arg0: i32, %arg1: i32) -> (i32, i32, i32) {
    %c0_i32 = arith.constant 0 : i32
    %c0_i32_0 = arith.constant 0 : i32
    %c0_i32_1 = arith.constant 0 : i32
    return %arg0, %c0_i32, %c0_i32_0 : i32, i32, i32
  }
  func.func @transform_4(%arg0: i32, %arg1: i32) -> (i32, i32, i32) {
    %c0_i32 = arith.constant 0 : i32
    %c0_i32_0 = arith.constant 0 : i32
    %c0_i32_1 = arith.constant 0 : i32
    return %arg0, %c0_i32, %c0_i32_0 : i32, i32, i32
  }
  func.func @transform_5(%arg0: i32, %arg1: i32) -> (i32, i32, i32) {
    %c0_i32 = arith.constant 0 : i32
    %c0_i32_0 = arith.constant 0 : i32
    %c0_i32_1 = arith.constant 0 : i32
    return %arg0, %c0_i32, %c0_i32_0 : i32, i32, i32
  }
}

</mosaic_0001>

<sc_bundles>
// kernel: kernel.4.cloned.1.call-start
scs
__scs_entry_jumppad:
0x0: {  	(pc) =	sbr.rel $0x88, $3  }
0x1: {  	(tag) =	ssettag $0x0;
	lr =	simm.s32 $0x1  }
0x2: {  	[smem:$0x3F9F] =	sst lr;
	_ =	strace $0xD0000000  }
0x3: {  	_ = 	snop  }
0x4: {  	_ = 	snop  }
0x5: {  	_ = 	snop  }
0x6: {  	_ = 	snop  }
0x7: {  	_ = 	snop  }
__scs_overlays_trampoline_lowered:
0x8: {  	[smem:$0x3FAE] =	sst s0  }
0x9: {  	[smem:$0x3FAF] =	sst s1  }
0xa: {  	[smem:$0x3FB0] =	sst s2  }
0xb: {  	[smem:$0x3FB1] =	sst s3  }
0xc: {  	[smem:$0x3FB2] =	sst s4  }
0xd: {  	[smem:$0x3FB3] =	sst s5  }
0xe: {  	[smem:$0x3FB4] =	sst s6  }
0xf: {  	[smem:$0x3FB5] =	sst s7  }
0x10: {  	[smem:$0x3FB6] =	sst s8  }
0x11: {  	[smem:$0x3FB7] =	sst s9;
	s0 =	simm.s32 @!p0 $0x0  }
0x12: {  	s1 =	sld [smem:$0x3F9D];
	s0 =	simm.s32 @p0 $0x1  }
0x13: {  	[smem:$0x3FB8] =	sst s0;
	s0 =	simm.s32 @!p1 $0x0  }
0x14: {  	s2 =	sld [smem:$0x3F9C];
	s0 =	simm.s32 @p1 $0x1  }
0x15: {  	[smem:$0x3FB9] =	sst s0;
	s0 =	simm.s32 @!p2 $0x0  }
0x16: {  	s3 =	sld [smem:$0x3FDB];
	s0 =	simm.s32 @p2 $0x1  }
0x17: {  	s4 =	simm.s32 $0x1BF5;
	[smem:$0x3FBB] =	sst s0  }
0x18: {  	s0 =	sld [smem:$0x3F9E];
	_ =	swait.ge [sflag:s4], $0x0  }
0x19: {  	s7 =	sld [smem:$0x3F9F]  }
0x1a: {  	s8 =	sadd.s32 $0xFFFFE003, lr  }
0x1b: {  	s9 =	sadd.s32 $0xFFFFFEF7, lr;
	s5 =	simm.s32 $0xFFFFFFFF;
	p2 =	slt.u32 s8, $0xFFFFF086  }
0x1c: {  	p1 =	slt.u32 s9, $0xF7A;
	s5 =	simm.s32 @!p2 $0x0  }
0x1d: {  	s5 =	simm.s32 @p1 $0x1;
	p0 =	seq.s32 s7, s2  }
0x1e: {  	s7 =	smul.u32 @!p0 $0xF7A, s2;
	p2 =	seq.s32 @!p0 s5, $0x0  }
0x1f: {  	s9 =	smul.u32 $0xF7A, s1;
	s8 =	simm.s32 @!p0 $0x1BF5;
	p2 =	por !p2, p0  }
0x20: {  	[sflag:s8] =	ssyncset.s32 @!p0 $0xFFFFF086;
	s6 =	sadd.s32 @!p0 s3, s7;
	s7 =	simm.s32 @!p0 $0x108  }
0x21: {  	s3 =	sadd.s32 s3, s9;
	s6 =	sadd.s32 @!p0 $0x88, s6;
	s7 =	simm.s32 @p2 $0x1082  }
0x22: {  	[simem:s7], [sflag:s8] =	dma.local @!p0 [hbm:s6], $0xF7A  }
0x23: {  	s9 =	sor.u32 $0xD0000000, s2;
	s6 =	simm.s32 $0x108;
	_ =	swait.ge @!p0 [sflag:s8], $0x0  }
0x24: {  	s3 =	sadd.s32 $0x88, s3;
	s6 =	simm.s32 @!p1 $0x1082;
	[sflag:s4] =	ssyncset.s32 $0xFFFFF086  }
0x25: {  	[simem:s6], [sflag:s4] =	dma.local [hbm:s3], $0xF7A  }
0x26: {  	[smem:$0x3F9F] =	sst s1;
	(tag) =	ssettag s2;
	_ =	strace s9  }
0x27: {  	s1 =	sld [smem:$0x3FAF]  }
0x28: {  	s2 =	sld [smem:$0x3FB0]  }
0x29: {  	s4 =	sld [smem:$0x3FB2]  }
0x2a: {  	p0 =	seq.s32 s5, $0x0;
	s5 =	sld [smem:$0x3FB3]  }
0x2b: {  	s6 =	sld [smem:$0x3FB4]  }
0x2c: {  	s7 =	sld [smem:$0x3FB5]  }
0x2d: {  	s3 =	simm.s32 $0x108;
	s8 =	sld [smem:$0x3FB6]  }
0x2e: {  	s3 =	simm.s32 @!p0 $0x1082;
	s9 =	sld [smem:$0x3FB7]  }
0x2f: {  	lr =	sadd.s32 s0, s3;
	s0 =	sld [smem:$0x3FAE]  }
0x30: {  	s3 =	sld [smem:$0x3FB1]  }
0x31: {  	[smem:$0x3FBA] =	sst s10  }
0x32: {  	s10 =	sld [smem:$0x3FB8];
	_ =	sdelay $0x3  }
0x33: {  	p0 =	seq.s32 s10, $0x1;
	s10 =	sld [smem:$0x3FBA];
	_ =	sdelay $0x3  }
0x34: {  	[smem:$0x3FBA] =	sst s10  }
0x35: {  	s10 =	sld [smem:$0x3FB9];
	_ =	sdelay $0x3  }
0x36: {  	p1 =	seq.s32 s10, $0x1;
	s10 =	sld [smem:$0x3FBA];
	_ =	sdelay $0x3  }
0x37: {  	[smem:$0x3FBA] =	sst s10  }
0x38: {  	s10 =	sld [smem:$0x3FBB]  }
0x39: {  	_ = 	snop;
	(pc) =	sbr.ind lr, $3  }
0x3a: {  	_ = 	snop  }
0x3b: {  	_ = 	snop  }
0x3c: {  	p2 =	seq.s32 s10, $0x1;
	s10 =	sld [smem:$0x3FBA]  }
0x3d: {  	_ =	shalt  }
0x3e: {  	_ =	shalt  }
0x3f: {  	_ =	shalt  }
0x40: {  	_ =	shalt  }
0x41: {  	_ =	shalt  }
0x42: {  	_ =	shalt  }
0x43: {  	_ =	shalt  }
0x44: {  	_ =	shalt  }
0x45: {  	_ =	shalt  }
0x46: {  	_ =	shalt  }
0x47: {  	_ =	shalt  }
0x48: {  	_ =	shalt  }
0x49: {  	_ =	shalt  }
0x4a: {  	_ =	shalt  }
0x4b: {  	_ =	shalt  }
0x4c: {  	_ =	shalt  }
0x4d: {  	_ =	shalt  }
0x4e: {  	_ =	shalt  }
0x4f: {  	_ =	shalt  }
0x50: {  	_ =	shalt  }
0x51: {  	_ =	shalt  }
0x52: {  	_ =	shalt  }
0x53: {  	_ =	shalt  }
0x54: {  	_ =	shalt  }
0x55: {  	_ =	shalt  }
0x56: {  	_ =	shalt  }
0x57: {  	_ =	shalt  }
0x58: {  	_ =	shalt  }
0x59: {  	_ =	shalt  }
0x5a: {  	_ =	shalt  }
0x5b: {  	_ =	shalt  }
0x5c: {  	_ =	shalt  }
0x5d: {  	_ =	shalt  }
0x5e: {  	_ =	shalt  }
0x5f: {  	_ =	shalt  }
0x60: {  	_ =	shalt  }
0x61: {  	_ =	shalt  }
0x62: {  	_ =	shalt  }
0x63: {  	_ =	shalt  }
0x64: {  	_ =	shalt  }
0x65: {  	_ =	shalt  }
0x66: {  	_ =	shalt  }
0x67: {  	_ =	shalt  }
0x68: {  	_ =	shalt  }
0x69: {  	_ =	shalt  }
0x6a: {  	_ =	shalt  }
0x6b: {  	_ =	shalt  }
0x6c: {  	_ =	shalt  }
0x6d: {  	_ =	shalt  }
0x6e: {  	_ =	shalt  }
0x6f: {  	_ =	shalt  }
0x70: {  	_ =	shalt  }
0x71: {  	_ =	shalt  }
0x72: {  	_ =	shalt  }
0x73: {  	_ =	shalt  }
0x74: {  	_ =	shalt  }
0x75: {  	_ =	shalt  }
0x76: {  	_ =	shalt  }
0x77: {  	_ =	shalt  }
0x78: {  	_ =	shalt  }
0x79: {  	_ =	shalt  }
0x7a: {  	_ =	shalt  }
0x7b: {  	_ =	shalt  }
0x7c: {  	_ =	shalt  }
0x7d: {  	_ =	shalt  }
0x7e: {  	_ =	shalt  }
0x7f: {  	_ =	shalt  }
0x80: {  	_ =	shalt  }
0x81: {  	_ =	shalt  }
0x82: {  	_ =	shalt  }
0x83: {  	_ =	shalt  }
0x84: {  	_ =	shalt  }
0x85: {  	_ =	shalt  }
0x86: {  	_ =	shalt  }
0x87: {  	_ =	shalt  }
.Lfunc_end0:
.L_simem_size_0:
called_computation_lowered:
.L_overlay_start_0:
0x88: {  	s2 =	sld [smem:$0x3FD9]  }
0x89: {  	s3 =	sld [smem:$0x3FFE];
	_ =	sdelay $0x1  }
0x8a: {  	s1 =	srdreg.scid  }
0x8b: {  	s0 =	sand.u32 $0x1, s1  }
0x8c: {  	s14 =	sshll.u32 s0, $0xA;
	s2 =	sadd.s32 s3, s2  }
0x8d: {  	s2 =	sadd.s32 s2, s14  }
0x8e: {  	[smem:$0x3FC6] =	sst s2  }
0x8f: {  	_ = 	snop  }
0x90: {  	s2 =	sld [smem:$0x3FD0];
	_ =	sdelay $0x2  }
0x91: {  	s4 =	simm.s32 $0xA;
	s5 =	simm.s32 $0x10;
	s15 =	sld [smem:$0x3FC8]  }
0x92: {  	[smem:s5], [sflag:s4] =	dma.local [hbm:s2], $0x1  }
0x93: {  	_ =	swait.eq [sflag:s4], $0x1  }
0x94: {  	[sflag:s4] =	ssyncset.done $0x0  }
0x95: {  	[sflag:s4] =	ssyncadd.s32 $0xFFFFFFFF  }
0x96: {  	s16 =	sld [smem:$0x10];
	(tm) =	ssettm $0x1  }
0x97: {  	s17 =	sld [smem:$0x3FFB];
	_ =	sdelay $0x3  }
0x98: {  	_ =	strace s17  }
0x99: {  	s4 =	sld [smem:$0x3FFC];
	_ =	sdelay $0x3  }
0x9a: {  	_ =	strace s4  }
0x9b: {  	s4 =	sld [smem:$0x3FFD];
	_ =	sdelay $0x3  }
0x9c: {  	_ =	strace s4  }
0x9d: {  	_ =	strace $0x8FFFFFFF  }
0x9e: {  	s18 =	sld [smem:$0x3FDB];
	_ =	sdelay $0x1  }
0x9f: {  	s19 =	simm.s32 $_scs_section_size  }
0xa0: {  	s6 =	simm.s32 $_size__tile_overlayer_lowered;
	s7 =	simm.s32 $_tile_overlayer_lowered  }
0xa1: {  	s22 =	simm.s32 $0x1BFF;
	s21 =	sshll.u32 s7, $0x1;
	s4 =	sadd.s32 s19, s18  }
0xa2: {  	s8 =	simm.s32 $0x0;
	s20 =	sshll.u32 s6, $0x1;
	s6 =	sadd.s32 s21, s4  }
0xa3: {  	[timem:s8], [sflag:s22] =	dma.local [hbm:s6], s20  }
0xa4: {  	_ =	swait.ge [sflag:s22], s20  }
0xa5: {  	s5 =	ssub.s32 $0x0, s20;
	[sflag:s22] =	ssyncset.done $0x0  }
0xa6: {  	[sflag:s22] =	ssyncadd.s32 s5;
	_ =	sdelay $0x1  }
0xa7: {  	s23 =	simm.s32 $0x1B8B  }
0xa8: {  	_ =	swait.ge [sflag:s23], $0x1  }
0xa9: {  	[sflag:s23] =	ssyncset.done $0x0  }
0xaa: {  	s25 =	simm.s32 $0x1B8E;
	s24 =	sld [smem:$0x3FFE];
	[sflag:s23] =	ssyncadd.s32 $0xFFFFFFFF  }
0xab: {  	s26 =	simm.s32 $execute0_lowered;
	[smem:$0x3FD2] =	sst s25  }
0xac: {  	s6 =	sshll.u32 s26, $0x1;
	_ =	strace $0x80000046;
	[dreg:$0x1] =	wrdreg $0xFFFFFFFF  }
0xad: {  	s28 =	simm.s32 $_size_execute0_lowered;
	s4 =	sadd.s32 s4, s6;
	[dreg:$0x0] =	wrdreg $0x0  }
0xae: {  	s6 =	sshll.u32 s28, $0x1;
	[dreg:$0x2] =	wrdreg s4  }
0xaf: {  	[dreg:$0x3] =	wrdreg s6  }
0xb0: {  	[dreg:$0x4] =	wrdreg $0xC0  }
0xb1: {  	_ =	task [dreg:s8], $0x5FFFF  }
0xb2: {  	[dreg:$0x1] =	wrdreg $0xFFFFFFFF  }
0xb3: {  	[dreg:$0x0] =	wrdreg $0x60  }
0xb4: {  	[dreg:$0x2] =	wrdreg s15  }
0xb5: {  	[dreg:$0x3] =	wrdreg s24  }
0xb6: {  	[dreg:$0x4] =	wrdreg s16  }
0xb7: {  	[dreg:$0x5] =	wrdreg $0x9  }
0xb8: {  	_ =	task.clear_ibuf [dreg:s8], $0x6FFFF;
	_ =	strace $0x90000046  }
0xb9: {  	s29 =	simm.s32 $0x9;
	_ =	strace $0x80000048  }
0xba: {  	_ =	swait.ge [sflag:s29], $0x1  }
0xbb: {  	[sflag:s29] =	ssyncadd.s32 $0xFFFFFFFF  }
0xbc: {  	_ =	strace $0x90000048  }
0xbd: {  	_ =	sfence  }
0xbe: {  	s30 =	sld [smem:$0x0];
	_ =	sdelay $0x2  }
0xbf: {  	s31 =	sshll.u32 s1, $0xD;
	s1 =	sshrl.u32 s1, $0x2  }
0xc0: {  	s3 =	sand.u32 $0x4000, s31;
	s1 =	sadd.s32 s1, s30  }
0xc1: {  	s0 =	sor.u32 s3, s0;
	s1 =	sshll.u32 s1, $0x11  }
0xc2: {  	s0 =	sor.u32 s1, s0  }
0xc3: {  	s0 =	sadd.s32 $0x8F2B, s0  }
0xc4: {  	[sflag:s0] =	ssyncadd.remote.s32 $0x1  }
0xc5: {  	_ =	sfence.sel $0xFFFF  }
0xc6: {  	[dreg:$0x0] =	wrdreg $0xFFFFFFFF;
	(pc) =	sbr.abs _section_cstart, $3  }
0xc7: {  	[dreg:$0x1] =	wrdreg $0xFFFFFFFF  }
0xc8: {  	_ =	task.clear_ibuf [dreg:s8], $0x2FFFF;
	_ =	strace $0x9FFFFFFF  }
0xc9: {  	(tm) =	ssettm $0x7FFFFFFF  }
tec
execute0_lowered:
.L_overlay_start_1:
0x0: {  	(tag) =	ssettag $0x1  }
0x1: {  	s1 =	rddreg [dreg:$0x0]  }
0x2: {  	s0 =	srdreg.scid;
	s2 =	rddreg [dreg:$0x1]  }
0x3: {  	s3 =	stileid.u32;
	s8 =	rddreg [dreg:$0x2]  }
0x4: {  	s10 =	simm.s32 $0x2;
	s14 =	simm.s32 $0x380;
	s19 =	simm.s32 $0xD380  }
0x5: {  	s20 =	simm.s32 $0xDB80;
	s21 =	simm.s32 $0xE380;
	s22 =	simm.s32 $0xEB80  }
0x6: {  	s23 =	simm.s32 $0xF380;
	s24 =	simm.s32 $0xFB80;
	s25 =	simm.s32 $0x10380  }
0x7: {  	s26 =	simm.s32 $0x10B80;
	s0 =	sand.u32 $0x1, s0;
	s3 =	sshll.u32 s3, $0x1  }
0x8: {  	s28 =	simm.s32 $0x11380;
	s29 =	simm.s32 $0x11B80;
	s4 =	sor.u32 s0, s3  }
0x9: {  	s30 =	simm.s32 $0x1;
	s3 =	simm.s32 $0x0;
	s5 =	smul.u32 $0x120, s4  }
0xa: {  	s31 =	simm.s32 $0x0;
	s0 =	ssub.s32 $0x2, s0;
	[smem:$0x7FF] =	sst s3  }
0xb: {  	s6 =	sshrl.u32 s0, $0x1;
	s9 =	smul.u32 $0x2400, s4;
	s5 =	sshrl.u32 s5, $0x3  }
0xc: {  	v2 =	vlaneseq.u32;
	_ =	strace $0x80000047;
	s0 =	ssub.s32 s0, s6;
	s2 =	sadd.s32 s5, s2  }
0xd: {  	vm0 =	vmmov $0xffff;
	v1 =	vshrl.u32 v2, $0x3;
	s8 =	sadd.s32 s8, s9;
	s9 =	smax.u32 s0, $0x1;
	s4 =	sadd.s32 $0xA00, s2  }
0xe: {  	v0 =	vand.u32 $0x7, v2;
	v2 =	vor.u32 $0x8, v2;
	v1 =	vmul.u32 $0x8, v1;
	s5 =	sadd.s32 $0xA0C, s2;
	s6 =	sadd.s32 $0xA18, s2;
	s7 =	sadd.s32 $0x1000, s2  }
.LBB2_1:
0xf: {  	[tilespmem:s3], [sflag:$0x2] =	stream.linear.gather [hbm4b:s4+s3], $0x60, $0x38;
	[tilespmem:$0x12380] =	vst v63  }
0x10: {  	_ =	swait.ge [sflag:s10], $0x60  }
0x11: {  	[sflag:s10] =	ssyncset.done $0x0  }
0x12: {  	s0 =	simm.s32 $0x80;
	[sflag:s10] =	ssyncadd.s32 $0xFFFFFFA0  }
0x13: {  	[tilespmem:s0], [sflag:$0x2] =	stream.linear.gather [hbm4b:s5+s3], $0x60, $0x38;
	[tilespmem:$0x12380] =	vst v63  }
0x14: {  	_ =	swait.ge [sflag:s10], $0x60  }
0x15: {  	[sflag:s10] =	ssyncset.done $0x0  }
0x16: {  	s15 =	simm.s32 $0x100;
	[sflag:s10] =	ssyncadd.s32 $0xFFFFFFA0  }
0x17: {  	[tilespmem:s15], [sflag:$0x2] =	stream.linear.gather [hbm4b:s6+s3], $0x60, $0x38;
	[tilespmem:$0x12380] =	vst v63  }
0x18: {  	_ =	swait.ge [sflag:s10], $0x60  }
0x19: {  	[sflag:s10] =	ssyncset.done $0x0  }
0x1a: {  	s16 =	simm.s32 $0x200;
	[sflag:s10] =	ssyncadd.s32 $0xFFFFFFA0  }
0x1b: {  	[tilespmem:s16], [sflag:$0x2] =	stream.linear.gather [hbm4b:s7+s3], $0x120, $0x38;
	[tilespmem:$0x12380] =	vst v63  }
0x1c: {  	_ =	swait.ge [sflag:s10], $0x120  }
0x1d: {  	[sflag:s10] =	ssyncset.done $0x0  }
0x1e: {  	[sflag:s10] =	ssyncadd.s32 $0xFFFFFEE0  }
0x1f: {  	v3 =	vld [tilespmem:$0x0];
	_ =	sdelay $0x4  }
0x20: {  	v4 =	vshll.u32 v3, $0x1  }
0x21: {  	v3 =	vand.u32 $0x7, v3;
	v4 =	vand.u32 $0xFFFFFFF0, v4  }
0x22: {  	v3 =	vor.u32 v3, v4  }
0x23: {  	v4 =	vperm.xlane v3, v0;
	_ =	sdelay $0x1  }
0x24: {  	v3 =	vperm.xlane v3, v2;
	v4 =	vadd.s32 v1, v4;
	_ =	sdelay $0x1  }
0x25: {  	v3 =	vadd.s32 v1, v3;
	_ =	sdelay $0x2  }
0x26: {  	[tilespmem:s14], [sflag:$0x1] =	stream.indirect_vreg.gather [hbm4b:s1+s3], $0x80, v4, vm0, $0xb8;
	[tilespmem:$0x12380] =	vst v63  }
0x27: {  	s17 =	simm.s32 $0xB80  }
0x28: {  	[tilespmem:s17], [sflag:$0x1] =	stream.indirect_vreg.gather [hbm4b:s1+s3], $0x80, v3, vm0, $0xb8;
	[tilespmem:$0x12380] =	vst v63  }
0x29: {  	v3 =	vld [tilespmem:$0x10];
	_ =	sdelay $0x4  }
0x2a: {  	v4 =	vshll.u32 v3, $0x1  }
0x2b: {  	v3 =	vand.u32 $0x7, v3;
	v4 =	vand.u32 $0xFFFFFFF0, v4  }
0x2c: {  	v3 =	vor.u32 v3, v4  }
0x2d: {  	v4 =	vperm.xlane v3, v0;
	_ =	sdelay $0x1  }
0x2e: {  	v3 =	vperm.xlane v3, v2;
	v4 =	vadd.s32 v1, v4;
	_ =	sdelay $0x1  }
0x2f: {  	v3 =	vadd.s32 v1, v3;
	_ =	sdelay $0x1  }
0x30: {  	s18 =	simm.s32 $0x1380  }
0x31: {  	[tilespmem:s18], [sflag:$0x1] =	stream.indirect_vreg.gather [hbm4b:s1+s3], $0x80, v4, vm0, $0xb8;
	[tilespmem:$0x12380] =	vst v63  }
0x32: {  	s2 =	simm.s32 $0x1B80  }
0x33: {  	[tilespmem:s2], [sflag:$0x1] =	stream.indirect_vreg.gather [hbm4b:s1+s3], $0x80, v3, vm0, $0xb8;
	[tilespmem:$0x12380] =	vst v63  }
0x34: {  	v3 =	vld [tilespmem:$0x20];
	_ =	sdelay $0x4  }
0x35: {  	v4 =	vshll.u32 v3, $0x1  }
0x36: {  	v3 =	vand.u32 $0x7, v3;
	v4 =	vand.u32 $0xFFFFFFF0, v4  }
0x37: {  	v3 =	vor.u32 v3, v4  }
0x38: {  	v4 =	vperm.xlane v3, v0;
	_ =	sdelay $0x1  }
0x39: {  	v3 =	vperm.xlane v3, v2;
	v4 =	vadd.s32 v1, v4;
	_ =	sdelay $0x1  }
0x3a: {  	v3 =	vadd.s32 v1, v3;
	_ =	sdelay $0x1  }
0x3b: {  	s11 =	simm.s32 $0x2380  }
0x3c: {  	[tilespmem:s11], [sflag:$0x1] =	stream.indirect_vreg.gather [hbm4b:s1+s3], $0x80, v4, vm0, $0xb8;
	[tilespmem:$0x12380] =	vst v63  }
0x3d: {  	s12 =	simm.s32 $0x2B80  }
0x3e: {  	[tilespmem:s12], [sflag:$0x1] =	stream.indirect_vreg.gather [hbm4b:s1+s3], $0x80, v3, vm0, $0xb8;
	[tilespmem:$0x12380] =	vst v63  }
0x3f: {  	v3 =	vld [tilespmem:$0x30];
	_ =	sdelay $0x4  }
0x40: {  	v4 =	vshll.u32 v3, $0x1  }
0x41: {  	v3 =	vand.u32 $0x7, v3;
	v4 =	vand.u32 $0xFFFFFFF0, v4  }
0x42: {  	v3 =	vor.u32 v3, v4  }
0x43: {  	v4 =	vperm.xlane v3, v0;
	_ =	sdelay $0x1  }
0x44: {  	v3 =	vperm.xlane v3, v2;
	v4 =	vadd.s32 v1, v4;
	_ =	sdelay $0x1  }
0x45: {  	v3 =	vadd.s32 v1, v3;
	_ =	sdelay $0x1  }
0x46: {  	s13 =	simm.s32 $0x3380  }
0x47: {  	[tilespmem:s13], [sflag:$0x1] =	stream.indirect_vreg.gather [hbm4b:s1+s3], $0x80, v4, vm0, $0xb8;
	[tilespmem:$0x12380] =	vst v63  }
0x48: {  	s15 =	simm.s32 $0x3B80  }
0x49: {  	[tilespmem:s15], [sflag:$0x1] =	stream.indirect_vreg.gather [hbm4b:s1+s3], $0x80, v3, vm0, $0xb8;
	[tilespmem:$0x12380] =	vst v63  }
0x4a: {  	v3 =	vld [tilespmem:$0x40];
	_ =	sdelay $0x4  }
0x4b: {  	v4 =	vshll.u32 v3, $0x1  }
0x4c: {  	v3 =	vand.u32 $0x7, v3;
	v4 =	vand.u32 $0xFFFFFFF0, v4  }
0x4d: {  	v3 =	vor.u32 v3, v4  }
0x4e: {  	v4 =	vperm.xlane v3, v0;
	_ =	sdelay $0x1  }
0x4f: {  	v3 =	vperm.xlane v3, v2;
	v4 =	vadd.s32 v1, v4;
	_ =	sdelay $0x1  }
0x50: {  	v3 =	vadd.s32 v1, v3;
	_ =	sdelay $0x1  }
0x51: {  	s16 =	simm.s32 $0x4380  }
0x52: {  	[tilespmem:s16], [sflag:$0x1] =	stream.indirect_vreg.gather [hbm4b:s1+s3], $0x80, v4, vm0, $0xb8;
	[tilespmem:$0x12380] =	vst v63  }
0x53: {  	s17 =	simm.s32 $0x4B80  }
0x54: {  	[tilespmem:s17], [sflag:$0x1] =	stream.indirect_vreg.gather [hbm4b:s1+s3], $0x80, v3, vm0, $0xb8;
	[tilespmem:$0x12380] =	vst v63  }
0x55: {  	v3 =	vld [tilespmem:$0x50];
	_ =	sdelay $0x4  }
0x56: {  	v4 =	vshll.u32 v3, $0x1  }
0x57: {  	v3 =	vand.u32 $0x7, v3;
	v4 =	vand.u32 $0xFFFFFFF0, v4  }
0x58: {  	v3 =	vor.u32 v3, v4  }
0x59: {  	v4 =	vperm.xlane v3, v0;
	_ =	sdelay $0x1  }
0x5a: {  	v3 =	vperm.xlane v3, v2;
	v4 =	vadd.s32 v1, v4;
	_ =	sdelay $0x1  }
0x5b: {  	v3 =	vadd.s32 v1, v3;
	_ =	sdelay $0x1  }
0x5c: {  	s18 =	simm.s32 $0x5380  }
0x5d: {  	[tilespmem:s18], [sflag:$0x1] =	stream.indirect_vreg.gather [hbm4b:s1+s3], $0x80, v4, vm0, $0xb8;
	[tilespmem:$0x12380] =	vst v63  }
0x5e: {  	s2 =	simm.s32 $0x5B80  }
0x5f: {  	[tilespmem:s2], [sflag:$0x1] =	stream.indirect_vreg.gather [hbm4b:s1+s3], $0x80, v3, vm0, $0xb8;
	[tilespmem:$0x12380] =	vst v63  }
0x60: {  	v3 =	vld [tilespmem:$0x80];
	_ =	sdelay $0x4  }
0x61: {  	v4 =	vshll.u32 v3, $0x1  }
0x62: {  	v3 =	vand.u32 $0x7, v3;
	v4 =	vand.u32 $0xFFFFFFF0, v4  }
0x63: {  	v3 =	vor.u32 v3, v4  }
0x64: {  	v4 =	vperm.xlane v3, v0;
	_ =	sdelay $0x1  }
0x65: {  	v3 =	vperm.xlane v3, v2;
	v4 =	vadd.s32 v1, v4;
	_ =	sdelay $0x1  }
0x66: {  	v3 =	vadd.s32 v1, v3;
	_ =	sdelay $0x1  }
0x67: {  	s11 =	simm.s32 $0x6380  }
0x68: {  	[tilespmem:s11], [sflag:$0x1] =	stream.indirect_vreg.gather [hbm4b:s1+s3], $0x80, v4, vm0, $0xb8;
	[tilespmem:$0x12380] =	vst v63  }
0x69: {  	s12 =	simm.s32 $0x6B80  }
0x6a: {  	[tilespmem:s12], [sflag:$0x1] =	stream.indirect_vreg.gather [hbm4b:s1+s3], $0x80, v3, vm0, $0xb8;
	[tilespmem:$0x12380] =	vst v63  }
0x6b: {  	v3 =	vld [tilespmem:$0x90];
	_ =	sdelay $0x4  }
0x6c: {  	v4 =	vshll.u32 v3, $0x1  }
0x6d: {  	v3 =	vand.u32 $0x7, v3;
	v4 =	vand.u32 $0xFFFFFFF0, v4  }
0x6e: {  	v3 =	vor.u32 v3, v4  }
0x6f: {  	v4 =	vperm.xlane v3, v0;
	_ =	sdelay $0x1  }
0x70: {  	v3 =	vperm.xlane v3, v2;
	v4 =	vadd.s32 v1, v4;
	_ =	sdelay $0x1  }
0x71: {  	v3 =	vadd.s32 v1, v3;
	_ =	sdelay $0x1  }
0x72: {  	s13 =	simm.s32 $0x7380  }
0x73: {  	[tilespmem:s13], [sflag:$0x1] =	stream.indirect_vreg.gather [hbm4b:s1+s3], $0x80, v4, vm0, $0xb8;
	[tilespmem:$0x12380] =	vst v63  }
0x74: {  	s15 =	simm.s32 $0x7B80  }
0x75: {  	[tilespmem:s15], [sflag:$0x1] =	stream.indirect_vreg.gather [hbm4b:s1+s3], $0x80, v3, vm0, $0xb8;
	[tilespmem:$0x12380] =	vst v63  }
0x76: {  	v3 =	vld [tilespmem:$0xA0];
	_ =	sdelay $0x4  }
0x77: {  	v4 =	vshll.u32 v3, $0x1  }
0x78: {  	v3 =	vand.u32 $0x7, v3;
	v4 =	vand.u32 $0xFFFFFFF0, v4  }
0x79: {  	v3 =	vor.u32 v3, v4  }
0x7a: {  	v4 =	vperm.xlane v3, v0;
	_ =	sdelay $0x1  }
0x7b: {  	v3 =	vperm.xlane v3, v2;
	v4 =	vadd.s32 v1, v4;
	_ =	sdelay $0x1  }
0x7c: {  	v3 =	vadd.s32 v1, v3;
	_ =	sdelay $0x1  }
0x7d: {  	s16 =	simm.s32 $0x8380  }
0x7e: {  	[tilespmem:s16], [sflag:$0x1] =	stream.indirect_vreg.gather [hbm4b:s1+s3], $0x80, v4, vm0, $0xb8;
	[tilespmem:$0x12380] =	vst v63  }
0x7f: {  	s17 =	simm.s32 $0x8B80  }
0x80: {  	[tilespmem:s17], [sflag:$0x1] =	stream.indirect_vreg.gather [hbm4b:s1+s3], $0x80, v3, vm0, $0xb8;
	[tilespmem:$0x12380] =	vst v63  }
0x81: {  	v3 =	vld [tilespmem:$0xB0];
	_ =	sdelay $0x4  }
0x82: {  	v4 =	vshll.u32 v3, $0x1  }
0x83: {  	v3 =	vand.u32 $0x7, v3;
	v4 =	vand.u32 $0xFFFFFFF0, v4  }
0x84: {  	v3 =	vor.u32 v3, v4  }
0x85: {  	v4 =	vperm.xlane v3, v0;
	_ =	sdelay $0x1  }
0x86: {  	v3 =	vperm.xlane v3, v2;
	v4 =	vadd.s32 v1, v4;
	_ =	sdelay $0x1  }
0x87: {  	v3 =	vadd.s32 v1, v3;
	_ =	sdelay $0x1  }
0x88: {  	s18 =	simm.s32 $0x9380  }
0x89: {  	[tilespmem:s18], [sflag:$0x1] =	stream.indirect_vreg.gather [hbm4b:s1+s3], $0x80, v4, vm0, $0xb8;
	[tilespmem:$0x12380] =	vst v63  }
0x8a: {  	s2 =	simm.s32 $0x9B80  }
0x8b: {  	[tilespmem:s2], [sflag:$0x1] =	stream.indirect_vreg.gather [hbm4b:s1+s3], $0x80, v3, vm0, $0xb8;
	[tilespmem:$0x12380] =	vst v63  }
0x8c: {  	v3 =	vld [tilespmem:$0xC0];
	_ =	sdelay $0x4  }
0x8d: {  	v4 =	vshll.u32 v3, $0x1  }
0x8e: {  	v3 =	vand.u32 $0x7, v3;
	v4 =	vand.u32 $0xFFFFFFF0, v4  }
0x8f: {  	v3 =	vor.u32 v3, v4  }
0x90: {  	v4 =	vperm.xlane v3, v0;
	_ =	sdelay $0x1  }
0x91: {  	v3 =	vperm.xlane v3, v2;
	v4 =	vadd.s32 v1, v4;
	_ =	sdelay $0x1  }
0x92: {  	v3 =	vadd.s32 v1, v3;
	_ =	sdelay $0x1  }
0x93: {  	s11 =	simm.s32 $0xA380  }
0x94: {  	[tilespmem:s11], [sflag:$0x1] =	stream.indirect_vreg.gather [hbm4b:s1+s3], $0x80, v4, vm0, $0xb8;
	[tilespmem:$0x12380] =	vst v63  }
0x95: {  	s12 =	simm.s32 $0xAB80  }
0x96: {  	[tilespmem:s12], [sflag:$0x1] =	stream.indirect_vreg.gather [hbm4b:s1+s3], $0x80, v3, vm0, $0xb8;
	[tilespmem:$0x12380] =	vst v63  }
0x97: {  	v3 =	vld [tilespmem:$0xD0];
	_ =	sdelay $0x4  }
0x98: {  	v4 =	vshll.u32 v3, $0x1  }
0x99: {  	v3 =	vand.u32 $0x7, v3;
	v4 =	vand.u32 $0xFFFFFFF0, v4  }
0x9a: {  	v3 =	vor.u32 v3, v4  }
0x9b: {  	v4 =	vperm.xlane v3, v0;
	_ =	sdelay $0x1  }
0x9c: {  	v3 =	vperm.xlane v3, v2;
	v4 =	vadd.s32 v1, v4;
	_ =	sdelay $0x1  }
0x9d: {  	v3 =	vadd.s32 v1, v3;
	_ =	sdelay $0x1  }
0x9e: {  	s13 =	simm.s32 $0xB380  }
0x9f: {  	[tilespmem:s13], [sflag:$0x1] =	stream.indirect_vreg.gather [hbm4b:s1+s3], $0x80, v4, vm0, $0xb8;
	[tilespmem:$0x12380] =	vst v63  }
0xa0: {  	s15 =	simm.s32 $0xBB80  }
0xa1: {  	[tilespmem:s15], [sflag:$0x1] =	stream.indirect_vreg.gather [hbm4b:s1+s3], $0x80, v3, vm0, $0xb8;
	[tilespmem:$0x12380] =	vst v63  }
0xa2: {  	v3 =	vld [tilespmem:$0x100];
	_ =	sdelay $0x4  }
0xa3: {  	v4 =	vshll.u32 v3, $0x1  }
0xa4: {  	v3 =	vand.u32 $0x7, v3;
	v4 =	vand.u32 $0xFFFFFFF0, v4  }
0xa5: {  	v3 =	vor.u32 v3, v4  }
0xa6: {  	v4 =	vperm.xlane v3, v0;
	_ =	sdelay $0x1  }
0xa7: {  	v3 =	vperm.xlane v3, v2;
	v4 =	vadd.s32 v1, v4;
	_ =	sdelay $0x1  }
0xa8: {  	v3 =	vadd.s32 v1, v3;
	_ =	sdelay $0x1  }
0xa9: {  	s16 =	simm.s32 $0xC380  }
0xaa: {  	[tilespmem:s16], [sflag:$0x1] =	stream.indirect_vreg.gather [hbm4b:s1+s3], $0x80, v4, vm0, $0xb8;
	[tilespmem:$0x12380] =	vst v63  }
0xab: {  	s17 =	simm.s32 $0xCB80  }
0xac: {  	[tilespmem:s17], [sflag:$0x1] =	stream.indirect_vreg.gather [hbm4b:s1+s3], $0x80, v3, vm0, $0xb8;
	[tilespmem:$0x12380] =	vst v63  }
0xad: {  	v3 =	vld [tilespmem:$0x110];
	_ =	sdelay $0x4  }
0xae: {  	v4 =	vshll.u32 v3, $0x1  }
0xaf: {  	v3 =	vand.u32 $0x7, v3;
	v4 =	vand.u32 $0xFFFFFFF0, v4  }
0xb0: {  	v3 =	vor.u32 v3, v4  }
0xb1: {  	v4 =	vperm.xlane v3, v0;
	_ =	sdelay $0x1  }
0xb2: {  	v3 =	vperm.xlane v3, v2;
	v4 =	vadd.s32 v1, v4;
	_ =	sdelay $0x1  }
0xb3: {  	v3 =	vadd.s32 v1, v3;
	_ =	sdelay $0x2  }
0xb4: {  	[tilespmem:s19], [sflag:$0x1] =	stream.indirect_vreg.gather [hbm4b:s1+s3], $0x80, v4, vm0, $0xb8;
	[tilespmem:$0x12380] =	vst v63  }
0xb5: {  	_ = 	snop  }
0xb6: {  	[tilespmem:s20], [sflag:$0x1] =	stream.indirect_vreg.gather [hbm4b:s1+s3], $0x80, v3, vm0, $0xb8;
	[tilespmem:$0x12380] =	vst v63  }
0xb7: {  	v3 =	vld [tilespmem:$0x120];
	_ =	sdelay $0x4  }
0xb8: {  	v4 =	vshll.u32 v3, $0x1  }
0xb9: {  	v3 =	vand.u32 $0x7, v3;
	v4 =	vand.u32 $0xFFFFFFF0, v4  }
0xba: {  	v3 =	vor.u32 v3, v4  }
0xbb: {  	v4 =	vperm.xlane v3, v0;
	_ =	sdelay $0x1  }
0xbc: {  	v3 =	vperm.xlane v3, v2;
	v4 =	vadd.s32 v1, v4;
	_ =	sdelay $0x1  }
0xbd: {  	v3 =	vadd.s32 v1, v3;
	_ =	sdelay $0x2  }
0xbe: {  	[tilespmem:s21], [sflag:$0x1] =	stream.indirect_vreg.gather [hbm4b:s1+s3], $0x80, v4, vm0, $0xb8;
	[tilespmem:$0x12380] =	vst v63  }
0xbf: {  	_ = 	snop  }
0xc0: {  	[tilespmem:s22], [sflag:$0x1] =	stream.indirect_vreg.gather [hbm4b:s1+s3], $0x80, v3, vm0, $0xb8;
	[tilespmem:$0x12380] =	vst v63  }
0xc1: {  	v3 =	vld [tilespmem:$0x130];
	_ =	sdelay $0x4  }
0xc2: {  	v4 =	vshll.u32 v3, $0x1  }
0xc3: {  	v3 =	vand.u32 $0x7, v3;
	v4 =	vand.u32 $0xFFFFFFF0, v4  }
0xc4: {  	v3 =	vor.u32 v3, v4  }
0xc5: {  	v4 =	vperm.xlane v3, v0;
	_ =	sdelay $0x1  }
0xc6: {  	v3 =	vperm.xlane v3, v2;
	v4 =	vadd.s32 v1, v4;
	_ =	sdelay $0x1  }
0xc7: {  	v3 =	vadd.s32 v1, v3;
	_ =	sdelay $0x2  }
0xc8: {  	[tilespmem:s23], [sflag:$0x1] =	stream.indirect_vreg.gather [hbm4b:s1+s3], $0x80, v4, vm0, $0xb8;
	[tilespmem:$0x12380] =	vst v63  }
0xc9: {  	_ = 	snop  }
0xca: {  	[tilespmem:s24], [sflag:$0x1] =	stream.indirect_vreg.gather [hbm4b:s1+s3], $0x80, v3, vm0, $0xb8;
	[tilespmem:$0x12380] =	vst v63  }
0xcb: {  	v3 =	vld [tilespmem:$0x140];
	_ =	sdelay $0x4  }
0xcc: {  	v4 =	vshll.u32 v3, $0x1  }
0xcd: {  	v3 =	vand.u32 $0x7, v3;
	v4 =	vand.u32 $0xFFFFFFF0, v4  }
0xce: {  	v3 =	vor.u32 v3, v4  }
0xcf: {  	v4 =	vperm.xlane v3, v0;
	_ =	sdelay $0x1  }
0xd0: {  	v3 =	vperm.xlane v3, v2;
	v4 =	vadd.s32 v1, v4;
	_ =	sdelay $0x1  }
0xd1: {  	v3 =	vadd.s32 v1, v3;
	_ =	sdelay $0x2  }
0xd2: {  	[tilespmem:s25], [sflag:$0x1] =	stream.indirect_vreg.gather [hbm4b:s1+s3], $0x80, v4, vm0, $0xb8;
	[tilespmem:$0x12380] =	vst v63  }
0xd3: {  	_ = 	snop  }
0xd4: {  	[tilespmem:s26], [sflag:$0x1] =	stream.indirect_vreg.gather [hbm4b:s1+s3], $0x80, v3, vm0, $0xb8;
	[tilespmem:$0x12380] =	vst v63  }
0xd5: {  	v3 =	vld [tilespmem:$0x150];
	_ =	sdelay $0x4  }
0xd6: {  	v4 =	vshll.u32 v3, $0x1  }
0xd7: {  	v3 =	vand.u32 $0x7, v3;
	v4 =	vand.u32 $0xFFFFFFF0, v4  }
0xd8: {  	v3 =	vor.u32 v3, v4  }
0xd9: {  	v4 =	vperm.xlane v3, v0;
	_ =	sdelay $0x1  }
0xda: {  	v3 =	vperm.xlane v3, v2;
	v4 =	vadd.s32 v1, v4;
	_ =	sdelay $0x1  }
0xdb: {  	v3 =	vadd.s32 v1, v3;
	_ =	sdelay $0x2  }
0xdc: {  	[tilespmem:s28], [sflag:$0x1] =	stream.indirect_vreg.gather [hbm4b:s1+s3], $0x80, v4, vm0, $0xb8;
	[tilespmem:$0x12380] =	vst v63  }
0xdd: {  	_ = 	snop  }
0xde: {  	[tilespmem:s29], [sflag:$0x1] =	stream.indirect_vreg.gather [hbm4b:s1+s3], $0x80, v3, vm0, $0xb8;
	[tilespmem:$0x12380] =	vst v63  }
0xdf: {  	_ =	swait.ge [sflag:s30], $0x6000  }
0xe0: {  	[sflag:s30] =	ssyncset.done $0x0  }
0xe1: {  	[sflag:s30] =	ssyncadd.s32 $0xFFFFA000  }
0xe2: {  	_ =	swait.ge [sflag:s30], $0x6000  }
0xe3: {  	[sflag:s30] =	ssyncset.done $0x0  }
0xe4: {  	[sflag:s30] =	ssyncadd.s32 $0xFFFFA000  }
0xe5: {  	_ =	swait.ge [sflag:s30], $0x6000  }
0xe6: {  	s18 =	sand.u32 $0x1F800, s3;
	s2 =	sand.u32 $0x380, s3;
	[sflag:s30] =	ssyncset.done $0x0  }
0xe7: {  	s2 =	sor.u32 s2, s18;
	[sflag:s30] =	ssyncadd.s32 $0xFFFFA000  }
0xe8: {  	v3 =	vld [tilespmem:s2+$0x3F0]  }
0xe9: {  	v8 =	vld [tilespmem:s2+$0x3C0]  }
0xea: {  	v5 =	vld [tilespmem:s2+$0x7C0]  }
0xeb: {  	v4 =	vld [tilespmem:s2+$0x7B0]  }
0xec: {  	s0 =	simm.s32 $0x1;
	v9 =	vld [tilespmem:s2+$0x380]  }
0xed: {  	s11 =	sand.u32 $0x7C0, s3;
	s12 =	simm.s32 $0x0;
	s13 =	simm.s32 $0x0;
	v6 =	vld [tilespmem:s2+$0x780]  }
0xee: {  	s15 =	simm.s32 $0x0;
	s16 =	sshrl.u32 s11, $0x2;
	s11 =	simm.s32 $0x0;
	v7 =	vld [tilespmem:s2+$0x7A0]  }
.LBB2_2:
0xef: {  	v10 =	vld [tilespmem:s16+$0x200];
	s11 =	sadd.s32 $0x80, s11;
	s13 =	sadd.s32 $0x100, s13;
	s15 =	sadd.s32 $0x4, s15  }
0xf0: {  	p0 =	sne.s32 s0, $0x11F;
	s16 =	smov.u32 s0;
	s0 =	sadd.s32 $0x1, s0;
	v11 =	vld [tilespmem:s2+$0x3E0]  }
0xf1: {  	v12 =	vld [tilespmem:s2+$0x3B0]  }
0xf2: {  	v13 =	vld [tilespmem:s2+$0x790]  }
0xf3: {  	v14 =	vmov s12;
	s12 =	smov.u32 s16;
	v15 =	vld [tilespmem:s2+$0x3D0]  }
0xf4: {  	v10 =	vperm.xlane v10, v14;
	v14 =	vld [tilespmem:s2+$0x390]  }
0xf5: {  	v16 =	vld [tilespmem:s2+$0x7E0]  }
0xf6: {  	v17 =	vld [tilespmem:s2+$0x3A0];
	v12 =	vmul.f32 v12, v10;
	v8 =	vmul.f32 v8, v10  }
0xf7: {  	v9 =	vmul.f32 v9, v10;
	v13 =	vmul.f32 v13, v10;
	v18 =	vld [tilespmem:s2+$0x7F0]  }
0xf8: {  	v7 =	vmul.f32 v7, v10;
	[tilespmem:s2+$0x3C0] =	vst v8;
	v8 =	vmul.f32 v15, v10;
	v15 =	vld [tilespmem:s2+$0x7D0]  }
0xf9: {  	v4 =	vmul.f32 v4, v10;
	[tilespmem:s2+$0x380] =	vst v9;
	v9 =	vmul.f32 v14, v10  }
0xfa: {  	v5 =	vmul.f32 v5, v10;
	[tilespmem:s2+$0x3D0] =	vst v8;
	v8 =	vmul.f32 v16, v10  }
0xfb: {  	v3 =	vmul.f32 v3, v10;
	[tilespmem:s2+$0x390] =	vst v9;
	v14 =	vmul.f32 v17, v10  }
0xfc: {  	v6 =	vmul.f32 v6, v10;
	v9 =	vmul.f32 v11, v10;
	[tilespmem:s2+$0x790] =	vst v13  }
0xfd: {  	s16 =	sand.u32 $0x7C0, s15;
	v11 =	vmul.f32 v15, v10;
	[tilespmem:s2+$0x7E0] =	vst v8;
	v10 =	vmul.f32 v18, v10  }
0xfe: {  	s17 =	sand.u32 $0x1F800, s13;
	s18 =	sand.u32 $0x380, s11;
	s16 =	sshrl.u32 s16, $0x2;
	[tilespmem:s2+$0x7C0] =	vst v5  }
0xff: {  	s17 =	sor.u32 s18, s17;
	[tilespmem:s2+$0x3F0] =	vst v3  }
0x100: {  	v3 =	vld [tilespmem:s17+$0x3F0];
	[tilespmem:s2+$0x780] =	vst v6  }
0x101: {  	[tilespmem:s2+$0x3B0] =	vst v12  }
0x102: {  	v8 =	vld [tilespmem:s17+$0x3C0];
	[tilespmem:s2+$0x7F0] =	vst v10  }
.Ltmp0:
0x103: {  	v5 =	vld [tilespmem:s17+$0x7C0];
	[tilespmem:s2+$0x7B0] =	vst v4;
	(pc) =	sbr.rel @p0 .LBB2_2-.Ltmp0, $4  }
0x104: {  	v4 =	vld [tilespmem:s17+$0x7B0];
	[tilespmem:s2+$0x3E0] =	vst v9  }
0x105: {  	v9 =	vld [tilespmem:s17+$0x380];
	[tilespmem:s2+$0x7D0] =	vst v11  }
0x106: {  	v6 =	vld [tilespmem:s17+$0x780];
	[tilespmem:s2+$0x7A0] =	vst v7  }
0x107: {  	v7 =	vld [tilespmem:s17+$0x7A0];
	[tilespmem:s2+$0x3A0] =	vst v14;
	s2 =	smov.u32 s17  }
0x108: {  	v10 =	vld [tilespmem:s16+$0x200];
	_ =	sdelay $0x3  }
0x109: {  	v13 =	vmov s12;
	v14 =	vld [tilespmem:s2+$0x3D0]  }
0x10a: {  	v53 =	vld [tilespmem:s2+$0x390];
	v10 =	vperm.xlane v10, v13  }
0x10b: {  	v15 =	vld [tilespmem:s2+$0x790]  }
0x10c: {  	v16 =	vld [tilespmem:s2+$0x7E0];
	v8 =	vmul.f32 v8, v10  }
0x10d: {  	v9 =	vmul.f32 v9, v10  }
0x10e: {  	v54 =	vmul.f32 v14, v10;
	[tilespmem:s2+$0x3C0] =	vst v8  }
0x10f: {  	v55 =	vmul.f32 v53, v10;
	[tilespmem:s2+$0x380] =	vst v9  }
0x110: {  	v12 =	vld [tilespmem:s2+$0x3B0];
	v56 =	vmul.f32 v15, v10;
	[tilespmem:s2+$0x3D0] =	vst v54  }
0x111: {  	v58 =	vmul.f32 v16, v10;
	[tilespmem:s2+$0x390] =	vst v55  }
0x112: {  	v11 =	vld [tilespmem:s2+$0x3E0];
	v5 =	vmul.f32 v5, v10;
	[tilespmem:s2+$0x790] =	vst v56  }
0x113: {  	v3 =	vmul.f32 v3, v10;
	[tilespmem:s2+$0x7E0] =	vst v58  }
0x114: {  	v57 =	vld [tilespmem:s2+$0x7F0];
	v6 =	vmul.f32 v6, v10;
	[tilespmem:s2+$0x7C0] =	vst v5  }
0x115: {  	v17 =	vld [tilespmem:s2+$0x3A0];
	v60 =	vmul.f32 v12, v10;
	[tilespmem:s2+$0x3F0] =	vst v3  }
0x116: {  	v59 =	vld [tilespmem:s2+$0x7D0];
	v4 =	vmul.f32 v4, v10;
	[tilespmem:s2+$0x780] =	vst v6  }
0x117: {  	v61 =	vmul.f32 v11, v10;
	[tilespmem:s2+$0x3B0] =	vst v60  }
0x118: {  	v62 =	vmul.f32 v7, v10;
	[tilespmem:s2+$0x7B0] =	vst v4  }
0x119: {  	v3 =	vmul.f32 v57, v10;
	[tilespmem:s2+$0x3E0] =	vst v61  }
0x11a: {  	v63 =	vmul.f32 v17, v10;
	[tilespmem:s2+$0x7A0] =	vst v62  }
0x11b: {  	s31 =	sadd.s32 $0x1, s31;
	[tilespmem:s2+$0x7F0] =	vst v3;
	v3 =	vmul.f32 v59, v10  }
0x11c: {  	p0 =	sne.s32 s31, s9;
	[tilespmem:s2+$0x3A0] =	vst v63  }
.Ltmp1:
0x11d: {  	[tilespmem:s2+$0x7D0] =	vst v3;
	(pc) =	sbr.rel @p0 .LBB2_1-.Ltmp1, $4  }
0x11e: {  	[hbm4b:s8+s3] =	stream.linear.scatter [tilespmem:s14], [sflag:$0x2], $0x12000, $0x38;
	[tilespmem:$0x12380] =	vst v63  }
0x11f: {  	_ =	swait.ge [sflag:s10], $0x12000  }
0x120: {  	[sflag:s10] =	ssyncset.done $0x0  }
0x121: {  	[sflag:s10] =	ssyncadd.s32 $0xFFFEE000  }
0x122: {  	_ =	sfence.sel $0x180000  }
0x123: {  	[bflag:$0x0] =	sbarrier.arrive $0xFFFF  }
0x124: {  	_ =	strace $0x90000047  }
0x125: {  	s0 =	stileid.u32;
	[bflag:$0x2] =	sbarrier.arrive $0xFFFF  }
0x126: {  	p0 =	sne.s32 s0, $0x0;
	s0 =	rddreg [dreg:$0x3]  }
0x127: {  	s0 =	sadd.s32 @!p0 $0x100000, s0  }
0x128: {  	[sflag:s0] =	ssyncadd.tile.s32 @!p0 $0x1;
	_ =	shalt  }
.Lfunc_end2:
_tile_overlayer_lowered:
.L_overlay_start_2:
0x129: {  	(tag) =	ssettag $0x2  }
0x12a: {  	s0 =	rddreg [dreg:$0x0];
	s2 =	stileid.u32  }
0x12b: {  	s1 =	rddreg [dreg:$0x1];
	p0 =	sne.s32 s2, $0x0  }
0x12c: {  	s3 =	rddreg [dreg:$0x2];
	[bflag:$0x3] =	sbarrier.arrive $0xFFFF;
	s2 =	simm.s32 @!p0 $0x1C02  }
0x12d: {  	[timem:s3], [sflag:s2] =	dma.local @!p0 [hbm:s0], s1  }
0x12e: {  	s0 =	simm.s32 @!p0 $0x2  }
0x12f: {  	_ =	swait.ge @!p0 [sflag:s0], s1  }
0x130: {  	s1 =	ssub.s32 @!p0 $0x0, s1;
	[sflag:s0] =	ssyncset.done @!p0 $0x0  }
0x131: {  	[sflag:s0] =	ssyncadd.s32 @!p0 s1  }
0x132: {  	[bflag:$0x3] =	sbarrier.arrive $0xFFFF  }
0x133: {  	_ =	shalt  }

</sc_bundles>
